<compile_context>
chip_gen: v7x
topology: tpu7x:2x2x1
jax: 0.10.2.dev20260603
libtpu: 0.0.44.dev20260713+nightly
codegen_flags: <defaults>
</compile_context>

<pallas_src>
import functools

import jax
import jax.numpy as jnp
from jax import lax
from jax.experimental import pallas as pl
from jax.experimental.pallas import tpu as pltpu
from jax.experimental.pallas import tpu_sc as plsc

_T = 2048
_E = 64
_C = _T // _E
_K = 4
_TB = 256
_TC2 = 512
_NEG = float("-inf")
_HI = jax.lax.Precision.HIGHEST


def _round(st, assigned, count, e_iota, t_ids, t_big):
    neg = jnp.float32(_NEG)
    valid = (assigned < 0) & (count < _C)
    s0 = jnp.where(valid, st, neg)
    bs = jnp.max(s0, axis=0, keepdims=True)
    cand = valid & (s0 == bs)
    emin = jnp.min(jnp.where(cand, e_iota, _E), axis=0, keepdims=True)
    prop = cand & (e_iota == emin)
    for k in range(_K):
        valid = (assigned < 0) & (count < _C)
        sm = jnp.where(valid, st, neg)
        m = jnp.max(sm, axis=1, keepdims=True)
        top = valid & (sm == m)
        accpre = top & prop
        if k == _K - 1:
            tmin = jnp.min(jnp.where(top, t_ids, t_big), axis=1,
                           keepdims=True)
            acc = accpre & (t_ids == tmin)
            rowcnt = jnp.sum(acc.astype(jnp.int32), axis=1, keepdims=True)
        else:
            rowcnt = jnp.sum(accpre.astype(jnp.int32), axis=1, keepdims=True)
            single = rowcnt == 1
            acc = accpre & single
            rowcnt = jnp.where(single, rowcnt, 0)
        newly = jnp.any(acc, axis=0, keepdims=True)
        assigned = jnp.where(newly, emin, assigned)
        count = count + rowcnt
    return assigned, count


def _excl_cumsum(v, ltri):
    out = []
    tot = jnp.zeros((1, 1), jnp.float32)
    for b in range(_T // _TB):
        blk = v[:, b * _TB:(b + 1) * _TB]
        out.append(jax.lax.dot_general(
            blk, ltri, (((1,), (0,)), ((), ())), precision=_HI,
            preferred_element_type=jnp.float32) + tot)
        tot = tot + jnp.sum(blk, axis=1, keepdims=True)
    return jnp.concatenate(out, axis=1)


def _assign_body(x_ref, w_ref, p_ref):
    st = jax.lax.dot_general(
        w_ref[...], x_ref[...], (((1,), (1,)), ((), ())),
        preferred_element_type=jnp.float32)
    neg = jnp.float32(_NEG)
    e_iota = jax.lax.broadcasted_iota(jnp.int32, (_E, _T), 0)
    t_iota = jax.lax.broadcasted_iota(jnp.int32, (_E, _T), 1)

    def cond0(s):
        return _T - jnp.sum(s[1]) > _TC2

    def body0(s):
        assigned, count = s
        return _round(st, assigned, count, e_iota, t_iota, _T)

    a0 = jnp.full((1, _T), -1, jnp.int32)
    c0 = jnp.zeros((_E, 1), jnp.int32)
    assigned, count = jax.lax.while_loop(cond0, body0, (a0, c0))
    n = _T - jnp.sum(count)

    bi = jax.lax.broadcasted_iota(jnp.int32, (_TB, _TB), 0)
    bj = jax.lax.broadcasted_iota(jnp.int32, (_TB, _TB), 1)
    ltri = (bi < bj).astype(jnp.float32)
    unas = assigned < 0
    rk = _excl_cumsum(unas.astype(jnp.float32), ltri)
    rki = rk.astype(jnp.int32)
    j_iota = jax.lax.broadcasted_iota(jnp.int32, (_TC2, _T), 0)
    selT = ((j_iota == rki) & unas).astype(jnp.float32)
    stc = jax.lax.dot_general(st, selT, (((1,), (1,)), ((), ())),
                              precision=_HI,
                              preferred_element_type=jnp.float32)
    tf = t_iota[0:1, :].astype(jnp.float32)
    tidc = jax.lax.dot_general(tf, selT, (((1,), (1,)), ((), ())),
                               precision=_HI,
                               preferred_element_type=jnp.float32)
    tidc = tidc.astype(jnp.int32)
    e_iota2 = jax.lax.broadcasted_iota(jnp.int32, (_E, _TC2), 0)
    real = jax.lax.broadcasted_iota(jnp.int32, (1, _TC2), 1) < n
    tid2 = jnp.broadcast_to(tidc, (_E, _TC2))
    ac = jnp.where(real, -1, 0).astype(jnp.int32)

    def cond1(s):
        return _T - jnp.sum(s[1]) > 0

    def body1(s):
        a1, c1 = s
        return _round(stc, a1, c1, e_iota2, tid2, _T)

    ac, count = jax.lax.while_loop(cond1, body1, (ac, count))

    back = jax.lax.dot_general(ac.astype(jnp.float32), selT,
                               (((1,), (0,)), ((), ())), precision=_HI,
                               preferred_element_type=jnp.float32)
    assigned = jnp.where(unas, back.astype(jnp.int32), assigned)

    onehot = (e_iota == assigned).astype(jnp.float32)
    tot = jnp.zeros((_E, 1), jnp.float32)
    for b in range(_T // _TB):
        oh = onehot[:, b * _TB:(b + 1) * _TB]
        csum = jax.lax.dot_general(
            oh, ltri, (((1,), (0,)), ((), ())), precision=_HI,
            preferred_element_type=jnp.float32) + tot
        rank = jnp.sum(oh * csum, axis=0, keepdims=True)
        a_b = assigned[:, b * _TB:(b + 1) * _TB]
        p_ref[:, b * _TB:(b + 1) * _TB] = a_b * _C + rank.astype(jnp.int32)
        tot = tot + jnp.sum(oh, axis=1, keepdims=True)


def _hard_body(p_ref, hard_ref):
    base = pl.program_id(0) * _TB
    p = p_ref[...]
    row = base + jax.lax.broadcasted_iota(jnp.int32, (_TB, _T), 0)
    hard_ref[...] = (p == row).astype(jnp.float32)


@functools.partial(
    pl.kernel,
    mesh=plsc.VectorSubcoreMesh(core_axis_name="c", subcore_axis_name="s"),
    out_type=jax.ShapeDtypeStruct((_T,), jnp.int32),
    scratch_types=[
        pltpu.VMEM((_T,), jnp.int32),
        pltpu.VMEM((_T,), jnp.int32),
        pltpu.SemaphoreType.DMA,
    ],
)
def _sc_top_index(p_hbm, out_hbm, pv, tv, sem):
    cid = lax.axis_index("c")
    sid = lax.axis_index("s")

    @pl.when((cid == 0) & (sid == 0))
    def _():
        pltpu.sync_copy(p_hbm, pv)
        for i in range(_T // 16):
            tv[pl.ds(i * 16, 16)] = jax.lax.iota(jnp.int32, 16) + (i * 16)
        pltpu.async_copy(tv, out_hbm.at[pv], sem).wait()


def kernel(inputs, wg_weight, pad_mask):
    del pad_mask
    p = pl.pallas_call(
        _assign_body,
        out_shape=jax.ShapeDtypeStruct((1, _T), jnp.int32),
    )(inputs, wg_weight)

    hard = pl.pallas_call(
        _hard_body,
        grid=(_T // _TB,),
        in_specs=[pl.BlockSpec((1, _T), lambda i: (0, 0))],
        out_specs=pl.BlockSpec((_TB, _T), lambda i: (i, 0)),
        out_shape=jax.ShapeDtypeStruct((_T, _T), jnp.float32),
    )(p)

    top_index = _sc_top_index(p.reshape(_T))
    splits = jnp.full((_E,), _C, dtype=jnp.int32)
    l_aux = jnp.asarray(0.0, dtype=jnp.float32)
    return (top_index, hard, splits, splits, l_aux)

# --- scband reference (transcript-rebuilt; emitter-appended) ---
"""Pipeline reference for scband-balance-gate-50895362458320 (READ-ONLY COPY).

The authoritative reference and input builder live on the scoring server;
editing this copy changes nothing except your own understanding.
"""

import jax, jax.numpy as jnp
import numpy as np

T = 2048
MODEL_DIM = 768
NUM_EXPERTS = 64
TEMPERATURE = 1.0


def _balanced_top_index(scores_np):
    # Balanced linear-assignment (stand-in for fairseq libbase.balanced_assignment
    # auction algorithm): greedy global assignment, each expert capped at T//E tokens.
    Tn, E = scores_np.shape
    C = Tn // E
    order = np.argsort(-scores_np, axis=None, kind='stable')
    expert_count = np.zeros(E, dtype=np.int64)
    token_assigned = np.full(Tn, -1, dtype=np.int64)
    n = 0
    for flat in order:
        t = int(flat) // E
        e = int(flat) % E
        if token_assigned[t] < 0 and expert_count[e] < C:
            token_assigned[t] = e
            expert_count[e] += 1
            n += 1
            if n == Tn:
                break
    # tokens sorted (stably) by assigned expert -> sort_by_expert permutation
    top_index = np.argsort(token_assigned, kind='stable')
    return top_index.astype(np.int64)


def projection_from_sort(score, top_index, temperature=TEMPERATURE):
    # score: [E, T] (scores transposed), top_index: [T]
    E, Tn = score.shape
    hard = jnp.zeros((Tn, Tn), dtype=jnp.float32)
    hard = hard.at[jnp.arange(Tn), top_index].set(1.0)
    soft = jax.nn.softmax(score / temperature, axis=1)          # [E, T]
    soft = jnp.broadcast_to(soft[:, None, :], (E, Tn // E, Tn)) / (Tn // E)
    soft = soft.reshape(Tn, Tn)
    # straight-through: hard forward, soft gradient
    return hard + soft - jax.lax.stop_gradient(soft)


def setup_inputs(seed: int = 0) -> dict:
    key = jax.random.key(seed)
    k1, k2 = jax.random.split(key)
    inputs = jax.random.normal(k1, (T, MODEL_DIM), dtype=jnp.float32)
    # orthogonal init with gain 0.1 for wg.weight [num_experts, model_dim]
    w = jax.random.normal(k2, (MODEL_DIM, NUM_EXPERTS), dtype=jnp.float32)
    q, _ = jnp.linalg.qr(w)                 # [model_dim, num_experts], orthonormal cols
    wg_weight = 0.1 * q.T                   # [num_experts, model_dim]
    pad_mask = jnp.zeros((T,), dtype=bool)
    return {"inputs": inputs, "wg_weight": wg_weight, "pad_mask": pad_mask}


def reference(inputs, wg_weight, pad_mask):
    # wg(inputs): Linear without bias
    scores = inputs @ wg_weight.T                               # [T, E]
    E = scores.shape[-1]
    scores = jnp.where(pad_mask[:, None], scores, scores)
    # balanced assignment on detached scores
    Tn = scores.shape[0]
    idx_dtype = jax.dtypes.canonicalize_dtype(np.int64)
    top_index = jax.pure_callback(
        lambda s: _balanced_top_index(np.asarray(s)).astype(idx_dtype),
        jax.ShapeDtypeStruct((Tn,), idx_dtype),
        jax.lax.stop_gradient(scores),
    )
    C = Tn // E
    soft_assignment = projection_from_sort(scores.T, top_index)
    input_splits = jnp.full((E,), C, dtype=jnp.int32)
    output_splits = input_splits  # _AllToAll identity in single-worker reference
    l_aux = jnp.asarray(0.0, dtype=jnp.float32)
    return (top_index, soft_assignment, input_splits, output_splits, l_aux)

if __name__ == "__main__":
    import jax
    _d = setup_inputs()
    print(jax.jit(kernel)(*tuple(_d.values())))

</pallas_src>

<mosaic_0001>
#map = affine_map<(d0, d1) -> (0)>
module attributes {stable_mosaic.version = 14 : i64} {
  func.func @_sc_top_index(%arg0: i32, %arg1: i32, %arg2: memref<2048xi32, #tpu.memory_space<hbm>>, %arg3: memref<2048xi32, #tpu.memory_space<hbm>>, %arg4: memref<2048xi32, #tpu.memory_space<vmem>>, %arg5: memref<2048xi32, #tpu.memory_space<vmem>>, %arg6: memref<!tpu.dma_semaphore, #tpu.memory_space<semaphore_mem>>) attributes {dimension_semantics = [#tpu.dimension_semantics<core_parallel>, #tpu.dimension_semantics<subcore_parallel>], iteration_bounds = array<i64: 2, 16>, scalar_prefetch = 0 : i64, scratch_operands = 3 : i64, tpu.core_type = #tpu.core_type<sc_vector_subcore>, window_params = [{transform_indices = #map}, {transform_indices = #map}]} {
    %eq3A = arith.constant 0 : i32
    %eq3A_0 = arith.cmpi eq, %arg0, %eq3A : i32
    %eq3A_1 = arith.constant 0 : i32
    %eq3A_2 = arith.cmpi eq, %arg1, %eq3A_1 : i32
    %and3A = arith.andi %eq3A_0, %eq3A_2 : i1
    %convert_element_type3A = arith.extui %and3A : i1 to i32
    %cond3A = arith.constant 0 : i32
    %cond3A_3 = arith.cmpi ne, %convert_element_type3A, %cond3A : i32
    scf.if %cond3A_3 {
      "tpu.region"() ({
        %run_scoped3A = tpu.sem_alloc : memref<!tpu.dma_semaphore, #tpu.memory_space<semaphore_mem>>
        tpu.enqueue_dma source(%arg2 : memref<2048xi32, #tpu.memory_space<hbm>>) target(%arg4 : memref<2048xi32, #tpu.memory_space<vmem>>) target_semaphore(%run_scoped3A : memref<!tpu.dma_semaphore, #tpu.memory_space<semaphore_mem>>)
        tpu.wait_dma2 semaphore(%run_scoped3A : memref<!tpu.dma_semaphore, #tpu.memory_space<semaphore_mem>>) src(%arg2 : memref<2048xi32, #tpu.memory_space<hbm>>) dst(%arg4 : memref<2048xi32, #tpu.memory_space<vmem>>)
        tpu.yield
      }) : () -> ()
      %iota3A = tpu.iota {dimensions = array<i32: 0>} : vector<16xi32>
      %add3A = arith.constant 0 : i32
      %add3A_4 = vector.broadcast %add3A : i32 to vector<16xi32>
      %add3A_5 = arith.addi %iota3A, %add3A_4 : vector<16xi32>
      %swap3A = arith.constant 0 : index
      %swap3A_6 = tpu.vector_load %arg5[%swap3A] {strides = array<i32>} : memref<2048xi32, #tpu.memory_space<vmem>>, vector<16xi32>,
      %swap3A_7 = vector.shape_cast %swap3A_6 : vector<16xi32> to vector<16xi32>
      %swap3A_8 = vector.shape_cast %add3A_5 : vector<16xi32> to vector<16xi32>
      tpu.vector_store %arg5[%swap3A], %swap3A_8 {strides = array<i32>} : memref<2048xi32, #tpu.memory_space<vmem>>, vector<16xi32>,
      %iota3A_9 = tpu.iota {dimensions = array<i32: 0>} : vector<16xi32>
      %add3A_10 = arith.constant 16 : i32
      %add3A_11 = vector.broadcast %add3A_10 : i32 to vector<16xi32>
      %add3A_12 = arith.addi %iota3A_9, %add3A_11 : vector<16xi32>
      %swap3A_13 = arith.constant 16 : index
      %swap3A_14 = tpu.vector_load %arg5[%swap3A_13] {strides = array<i32>} : memref<2048xi32, #tpu.memory_space<vmem>>, vector<16xi32>,
      %swap3A_15 = vector.shape_cast %swap3A_14 : vector<16xi32> to vector<16xi32>
      %swap3A_16 = vector.shape_cast %add3A_12 : vector<16xi32> to vector<16xi32>
      tpu.vector_store %arg5[%swap3A_13], %swap3A_16 {strides = array<i32>} : memref<2048xi32, #tpu.memory_space<vmem>>, vector<16xi32>,
      %iota3A_17 = tpu.iota {dimensions = array<i32: 0>} : vector<16xi32>
      %add3A_18 = arith.constant 32 : i32
      %add3A_19 = vector.broadcast %add3A_18 : i32 to vector<16xi32>
      %add3A_20 = arith.addi %iota3A_17, %add3A_19 : vector<16xi32>
      %swap3A_21 = arith.constant 32 : index
      %swap3A_22 = tpu.vector_load %arg5[%swap3A_21] {strides = array<i32>} : memref<2048xi32, #tpu.memory_space<vmem>>, vector<16xi32>,
      %swap3A_23 = vector.shape_cast %swap3A_22 : vector<16xi32> to vector<16xi32>
      %swap3A_24 = vector.shape_cast %add3A_20 : vector<16xi32> to vector<16xi32>
      tpu.vector_store %arg5[%swap3A_21], %swap3A_24 {strides = array<i32>} : memref<2048xi32, #tpu.memory_space<vmem>>, vector<16xi32>,
      %iota3A_25 = tpu.iota {dimensions = array<i32: 0>} : vector<16xi32>
      %add3A_26 = arith.constant 48 : i32
      %add3A_27 = vector.broadcast %add3A_26 : i32 to vector<16xi32>
      %add3A_28 = arith.addi %iota3A_25, %add3A_27 : vector<16xi32>
      %swap3A_29 = arith.constant 48 : index
      %swap3A_30 = tpu.vector_load %arg5[%swap3A_29] {strides = array<i32>} : memref<2048xi32, #tpu.memory_space<vmem>>, vector<16xi32>,
      %swap3A_31 = vector.shape_cast %swap3A_30 : vector<16xi32> to vector<16xi32>
      %swap3A_32 = vector.shape_cast %add3A_28 : vector<16xi32> to vector<16xi32>
      tpu.vector_store %arg5[%swap3A_29], %swap3A_32 {strides = array<i32>} : memref<2048xi32, #tpu.memory_space<vmem>>, vector<16xi32>,
      %iota3A_33 = tpu.iota {dimensions = array<i32: 0>} : vector<16xi32>
      %add3A_34 = arith.constant 64 : i32
      %add3A_35 = vector.broadcast %add3A_34 : i32 to vector<16xi32>
      %add3A_36 = arith.addi %iota3A_33, %add3A_35 : vector<16xi32>
      %swap3A_37 = arith.constant 64 : index
      %swap3A_38 = tpu.vector_load %arg5[%swap3A_37] {strides = array<i32>} : memref<2048xi32, #tpu.memory_space<vmem>>, vector<16xi32>,
      %swap3A_39 = vector.shape_cast %swap3A_38 : vector<16xi32> to vector<16xi32>
      %swap3A_40 = vector.shape_cast %add3A_36 : vector<16xi32> to vector<16xi32>
      tpu.vector_store %arg5[%swap3A_37], %swap3A_40 {strides = array<i32>} : memref<2048xi32, #tpu.memory_space<vmem>>, vector<16xi32>,
      %iota3A_41 = tpu.iota {dimensions = array<i32: 0>} : vector<16xi32>
      %add3A_42 = arith.constant 80 : i32
      %add3A_43 = vector.broadcast %add3A_42 : i32 to vector<16xi32>
      %add3A_44 = arith.addi %iota3A_41, %add3A_43 : vector<16xi32>
      %swap3A_45 = arith.constant 80 : index
      %swap3A_46 = tpu.vector_load %arg5[%swap3A_45] {strides = array<i32>} : memref<2048xi32, #tpu.memory_space<vmem>>, vector<16xi32>,
      %swap3A_47 = vector.shape_cast %swap3A_46 : vector<16xi32> to vector<16xi32>
      %swap3A_48 = vector.shape_cast %add3A_44 : vector<16xi32> to vector<16xi32>
      tpu.vector_store %arg5[%swap3A_45], %swap3A_48 {strides = array<i32>} : memref<2048xi32, #tpu.memory_space<vmem>>, vector<16xi32>,
      %iota3A_49 = tpu.iota {dimensions = array<i32: 0>} : vector<16xi32>
      %add3A_50 = arith.constant 96 : i32
      %add3A_51 = vector.broadcast %add3A_50 : i32 to vector<16xi32>
      %add3A_52 = arith.addi %iota3A_49, %add3A_51 : vector<16xi32>
      %swap3A_53 = arith.constant 96 : index
      %swap3A_54 = tpu.vector_load %arg5[%swap3A_53] {strides = array<i32>} : memref<2048xi32, #tpu.memory_space<vmem>>, vector<16xi32>,
      %swap3A_55 = vector.shape_cast %swap3A_54 : vector<16xi32> to vector<16xi32>
      %swap3A_56 = vector.shape_cast %add3A_52 : vector<16xi32> to vector<16xi32>
      tpu.vector_store %arg5[%swap3A_53], %swap3A_56 {strides = array<i32>} : memref<2048xi32, #tpu.memory_space<vmem>>, vector<16xi32>,
      %iota3A_57 = tpu.iota {dimensions = array<i32: 0>} : vector<16xi32>
      %add3A_58 = arith.constant 112 : i32
      %add3A_59 = vector.broadcast %add3A_58 : i32 to vector<16xi32>
      %add3A_60 = arith.addi %iota3A_57, %add3A_59 : vector<16xi32>
      %swap3A_61 = arith.constant 112 : index
      %swap3A_62 = tpu.vector_load %arg5[%swap3A_61] {strides = array<i32>} : memref<2048xi32, #tpu.memory_space<vmem>>, vector<16xi32>,
      %swap3A_63 = vector.shape_cast %swap3A_62 : vector<16xi32> to vector<16xi32>
      %swap3A_64 = vector.shape_cast %add3A_60 : vector<16xi32> to vector<16xi32>
      tpu.vector_store %arg5[%swap3A_61], %swap3A_64 {strides = array<i32>} : memref<2048xi32, #tpu.memory_space<vmem>>, vector<16xi32>,
      %iota3A_65 = tpu.iota {dimensions = array<i32: 0>} : vector<16xi32>
      %add3A_66 = arith.constant 128 : i32
      %add3A_67 = vector.broadcast %add3A_66 : i32 to vector<16xi32>
      %add3A_68 = arith.addi %iota3A_65, %add3A_67 : vector<16xi32>
      %swap3A_69 = arith.constant 128 : index
      %swap3A_70 = tpu.vector_load %arg5[%swap3A_69] {strides = array<i32>} : memref<2048xi32, #tpu.memory_space<vmem>>, vector<16xi32>,
      %swap3A_71 = vector.shape_cast %swap3A_70 : vector<16xi32> to vector<16xi32>
      %swap3A_72 = vector.shape_cast %add3A_68 : vector<16xi32> to vector<16xi32>
      tpu.vector_store %arg5[%swap3A_69], %swap3A_72 {strides = array<i32>} : memref<2048xi32, #tpu.memory_space<vmem>>, vector<16xi32>,
      %iota3A_73 = tpu.iota {dimensions = array<i32: 0>} : vector<16xi32>
      %add3A_74 = arith.constant 144 : i32
      %add3A_75 = vector.broadcast %add3A_74 : i32 to vector<16xi32>
      %add3A_76 = arith.addi %iota3A_73, %add3A_75 : vector<16xi32>
      %swap3A_77 = arith.constant 144 : index
      %swap3A_78 = tpu.vector_load %arg5[%swap3A_77] {strides = array<i32>} : memref<2048xi32, #tpu.memory_space<vmem>>, vector<16xi32>,
      %swap3A_79 = vector.shape_cast %swap3A_78 : vector<16xi32> to vector<16xi32>
      %swap3A_80 = vector.shape_cast %add3A_76 : vector<16xi32> to vector<16xi32>
      tpu.vector_store %arg5[%swap3A_77], %swap3A_80 {strides = array<i32>} : memref<2048xi32, #tpu.memory_space<vmem>>, vector<16xi32>,
      %iota3A_81 = tpu.iota {dimensions = array<i32: 0>} : vector<16xi32>
      %add3A_82 = arith.constant 160 : i32
      %add3A_83 = vector.broadcast %add3A_82 : i32 to vector<16xi32>
      %add3A_84 = arith.addi %iota3A_81, %add3A_83 : vector<16xi32>
      %swap3A_85 = arith.constant 160 : index
      %swap3A_86 = tpu.vector_load %arg5[%swap3A_85] {strides = array<i32>} : memref<2048xi32, #tpu.memory_space<vmem>>, vector<16xi32>,
      %swap3A_87 = vector.shape_cast %swap3A_86 : vector<16xi32> to vector<16xi32>
      %swap3A_88 = vector.shape_cast %add3A_84 : vector<16xi32> to vector<16xi32>
      tpu.vector_store %arg5[%swap3A_85], %swap3A_88 {strides = array<i32>} : memref<2048xi32, #tpu.memory_space<vmem>>, vector<16xi32>,
      %iota3A_89 = tpu.iota {dimensions = array<i32: 0>} : vector<16xi32>
      %add3A_90 = arith.constant 176 : i32
      %add3A_91 = vector.broadcast %add3A_90 : i32 to vector<16xi32>
      %add3A_92 = arith.addi %iota3A_89, %add3A_91 : vector<16xi32>
      %swap3A_93 = arith.constant 176 : index
      %swap3A_94 = tpu.vector_load %arg5[%swap3A_93] {strides = array<i32>} : memref<2048xi32, #tpu.memory_space<vmem>>, vector<16xi32>,
      %swap3A_95 = vector.shape_cast %swap3A_94 : vector<16xi32> to vector<16xi32>
      %swap3A_96 = vector.shape_cast %add3A_92 : vector<16xi32> to vector<16xi32>
      tpu.vector_store %arg5[%swap3A_93], %swap3A_96 {strides = array<i32>} : memref<2048xi32, #tpu.memory_space<vmem>>, vector<16xi32>,
      %iota3A_97 = tpu.iota {dimensions = array<i32: 0>} : vector<16xi32>
      %add3A_98 = arith.constant 192 : i32
      %add3A_99 = vector.broadcast %add3A_98 : i32 to vector<16xi32>
      %add3A_100 = arith.addi %iota3A_97, %add3A_99 : vector<16xi32>
      %swap3A_101 = arith.constant 192 : index
      %swap3A_102 = tpu.vector_load %arg5[%swap3A_101] {strides = array<i32>} : memref<2048xi32, #tpu.memory_space<vmem>>, vector<16xi32>,
      %swap3A_103 = vector.shape_cast %swap3A_102 : vector<16xi32> to vector<16xi32>
      %swap3A_104 = vector.shape_cast %add3A_100 : vector<16xi32> to vector<16xi32>
      tpu.vector_store %arg5[%swap3A_101], %swap3A_104 {strides = array<i32>} : memref<2048xi32, #tpu.memory_space<vmem>>, vector<16xi32>,
      %iota3A_105 = tpu.iota {dimensions = array<i32: 0>} : vector<16xi32>
      %add3A_106 = arith.constant 208 : i32
      %add3A_107 = vector.broadcast %add3A_106 : i32 to vector<16xi32>
      %add3A_108 = arith.addi %iota3A_105, %add3A_107 : vector<16xi32>
      %swap3A_109 = arith.constant 208 : index
      %swap3A_110 = tpu.vector_load %arg5[%swap3A_109] {strides = array<i32>} : memref<2048xi32, #tpu.memory_space<vmem>>, vector<16xi32>,
      %swap3A_111 = vector.shape_cast %swap3A_110 : vector<16xi32> to vector<16xi32>
      %swap3A_112 = vector.shape_cast %add3A_108 : vector<16xi32> to vector<16xi32>
      tpu.vector_store %arg5[%swap3A_109], %swap3A_112 {strides = array<i32>} : memref<2048xi32, #tpu.memory_space<vmem>>, vector<16xi32>,
      %iota3A_113 = tpu.iota {dimensions = array<i32: 0>} : vector<16xi32>
      %add3A_114 = arith.constant 224 : i32
      %add3A_115 = vector.broadcast %add3A_114 : i32 to vector<16xi32>
      %add3A_116 = arith.addi %iota3A_113, %add3A_115 : vector<16xi32>
      %swap3A_117 = arith.constant 224 : index
      %swap3A_118 = tpu.vector_load %arg5[%swap3A_117] {strides = array<i32>} : memref<2048xi32, #tpu.memory_space<vmem>>, vector<16xi32>,
      %swap3A_119 = vector.shape_cast %swap3A_118 : vector<16xi32> to vector<16xi32>
      %swap3A_120 = vector.shape_cast %add3A_116 : vector<16xi32> to vector<16xi32>
      tpu.vector_store %arg5[%swap3A_117], %swap3A_120 {strides = array<i32>} : memref<2048xi32, #tpu.memory_space<vmem>>, vector<16xi32>,
      %iota3A_121 = tpu.iota {dimensions = array<i32: 0>} : vector<16xi32>
      %add3A_122 = arith.constant 240 : i32
      %add3A_123 = vector.broadcast %add3A_122 : i32 to vector<16xi32>
      %add3A_124 = arith.addi %iota3A_121, %add3A_123 : vector<16xi32>
      %swap3A_125 = arith.constant 240 : index
      %swap3A_126 = tpu.vector_load %arg5[%swap3A_125] {strides = array<i32>} : memref<2048xi32, #tpu.memory_space<vmem>>, vector<16xi32>,
      %swap3A_127 = vector.shape_cast %swap3A_126 : vector<16xi32> to vector<16xi32>
      %swap3A_128 = vector.shape_cast %add3A_124 : vector<16xi32> to vector<16xi32>
      tpu.vector_store %arg5[%swap3A_125], %swap3A_128 {strides = array<i32>} : memref<2048xi32, #tpu.memory_space<vmem>>, vector<16xi32>,
      %iota3A_129 = tpu.iota {dimensions = array<i32: 0>} : vector<16xi32>
      %add3A_130 = arith.constant 256 : i32
      %add3A_131 = vector.broadcast %add3A_130 : i32 to vector<16xi32>
      %add3A_132 = arith.addi %iota3A_129, %add3A_131 : vector<16xi32>
      %swap3A_133 = arith.constant 256 : index
      %swap3A_134 = tpu.vector_load %arg5[%swap3A_133] {strides = array<i32>} : memref<2048xi32, #tpu.memory_space<vmem>>, vector<16xi32>,
      %swap3A_135 = vector.shape_cast %swap3A_134 : vector<16xi32> to vector<16xi32>
      %swap3A_136 = vector.shape_cast %add3A_132 : vector<16xi32> to vector<16xi32>
      tpu.vector_store %arg5[%swap3A_133], %swap3A_136 {strides = array<i32>} : memref<2048xi32, #tpu.memory_space<vmem>>, vector<16xi32>,
      %iota3A_137 = tpu.iota {dimensions = array<i32: 0>} : vector<16xi32>
      %add3A_138 = arith.constant 272 : i32
      %add3A_139 = vector.broadcast %add3A_138 : i32 to vector<16xi32>
      %add3A_140 = arith.addi %iota3A_137, %add3A_139 : vector<16xi32>
      %swap3A_141 = arith.constant 272 : index
      %swap3A_142 = tpu.vector_load %arg5[%swap3A_141] {strides = array<i32>} : memref<2048xi32, #tpu.memory_space<vmem>>, vector<16xi32>,
      %swap3A_143 = vector.shape_cast %swap3A_142 : vector<16xi32> to vector<16xi32>
      %swap3A_144 = vector.shape_cast %add3A_140 : vector<16xi32> to vector<16xi32>
      tpu.vector_store %arg5[%swap3A_141], %swap3A_144 {strides = array<i32>} : memref<2048xi32, #tpu.memory_space<vmem>>, vector<16xi32>,
      %iota3A_145 = tpu.iota {dimensions = array<i32: 0>} : vector<16xi32>
      %add3A_146 = arith.constant 288 : i32
      %add3A_147 = vector.broadcast %add3A_146 : i32 to vector<16xi32>
      %add3A_148 = arith.addi %iota3A_145, %add3A_147 : vector<16xi32>
      %swap3A_149 = arith.constant 288 : index
      %swap3A_150 = tpu.vector_load %arg5[%swap3A_149] {strides = array<i32>} : memref<2048xi32, #tpu.memory_space<vmem>>, vector<16xi32>,
      %swap3A_151 = vector.shape_cast %swap3A_150 : vector<16xi32> to vector<16xi32>
      %swap3A_152 = vector.shape_cast %add3A_148 : vector<16xi32> to vector<16xi32>
      tpu.vector_store %arg5[%swap3A_149], %swap3A_152 {strides = array<i32>} : memref<2048xi32, #tpu.memory_space<vmem>>, vector<16xi32>,
      %iota3A_153 = tpu.iota {dimensions = array<i32: 0>} : vector<16xi32>
      %add3A_154 = arith.constant 304 : i32
      %add3A_155 = vector.broadcast %add3A_154 : i32 to vector<16xi32>
      %add3A_156 = arith.addi %iota3A_153, %add3A_155 : vector<16xi32>
      %swap3A_157 = arith.constant 304 : index
      %swap3A_158 = tpu.vector_load %arg5[%swap3A_157] {strides = array<i32>} : memref<2048xi32, #tpu.memory_space<vmem>>, vector<16xi32>,
      %swap3A_159 = vector.shape_cast %swap3A_158 : vector<16xi32> to vector<16xi32>
      %swap3A_160 = vector.shape_cast %add3A_156 : vector<16xi32> to vector<16xi32>
      tpu.vector_store %arg5[%swap3A_157], %swap3A_160 {strides = array<i32>} : memref<2048xi32, #tpu.memory_space<vmem>>, vector<16xi32>,
      %iota3A_161 = tpu.iota {dimensions = array<i32: 0>} : vector<16xi32>
      %add3A_162 = arith.constant 320 : i32
      %add3A_163 = vector.broadcast %add3A_162 : i32 to vector<16xi32>
      %add3A_164 = arith.addi %iota3A_161, %add3A_163 : vector<16xi32>
      %swap3A_165 = arith.constant 320 : index
      %swap3A_166 = tpu.vector_load %arg5[%swap3A_165] {strides = array<i32>} : memref<2048xi32, #tpu.memory_space<vmem>>, vector<16xi32>,
      %swap3A_167 = vector.shape_cast %swap3A_166 : vector<16xi32> to vector<16xi32>
      %swap3A_168 = vector.shape_cast %add3A_164 : vector<16xi32> to vector<16xi32>
      tpu.vector_store %arg5[%swap3A_165], %swap3A_168 {strides = array<i32>} : memref<2048xi32, #tpu.memory_space<vmem>>, vector<16xi32>,
      %iota3A_169 = tpu.iota {dimensions = array<i32: 0>} : vector<16xi32>
      %add3A_170 = arith.constant 336 : i32
      %add3A_171 = vector.broadcast %add3A_170 : i32 to vector<16xi32>
      %add3A_172 = arith.addi %iota3A_169, %add3A_171 : vector<16xi32>
      %swap3A_173 = arith.constant 336 : index
      %swap3A_174 = tpu.vector_load %arg5[%swap3A_173] {strides = array<i32>} : memref<2048xi32, #tpu.memory_space<vmem>>, vector<16xi32>,
      %swap3A_175 = vector.shape_cast %swap3A_174 : vector<16xi32> to vector<16xi32>
      %swap3A_176 = vector.shape_cast %add3A_172 : vector<16xi32> to vector<16xi32>
      tpu.vector_store %arg5[%swap3A_173], %swap3A_176 {strides = array<i32>} : memref<2048xi32, #tpu.memory_space<vmem>>, vector<16xi32>,
      %iota3A_177 = tpu.iota {dimensions = array<i32: 0>} : vector<16xi32>
      %add3A_178 = arith.constant 352 : i32
      %add3A_179 = vector.broadcast %add3A_178 : i32 to vector<16xi32>
      %add3A_180 = arith.addi %iota3A_177, %add3A_179 : vector<16xi32>
      %swap3A_181 = arith.constant 352 : index
      %swap3A_182 = tpu.vector_load %arg5[%swap3A_181] {strides = array<i32>} : memref<2048xi32, #tpu.memory_space<vmem>>, vector<16xi32>,
      %swap3A_183 = vector.shape_cast %swap3A_182 : vector<16xi32> to vector<16xi32>
      %swap3A_184 = vector.shape_cast %add3A_180 : vector<16xi32> to vector<16xi32>
      tpu.vector_store %arg5[%swap3A_181], %swap3A_184 {strides = array<i32>} : memref<2048xi32, #tpu.memory_space<vmem>>, vector<16xi32>,
      %iota3A_185 = tpu.iota {dimensions = array<i32: 0>} : vector<16xi32>
      %add3A_186 = arith.constant 368 : i32
      %add3A_187 = vector.broadcast %add3A_186 : i32 to vector<16xi32>
      %add3A_188 = arith.addi %iota3A_185, %add3A_187 : vector<16xi32>
      %swap3A_189 = arith.constant 368 : index
      %swap3A_190 = tpu.vector_load %arg5[%swap3A_189] {strides = array<i32>} : memref<2048xi32, #tpu.memory_space<vmem>>, vector<16xi32>,
      %swap3A_191 = vector.shape_cast %swap3A_190 : vector<16xi32> to vector<16xi32>
      %swap3A_192 = vector.shape_cast %add3A_188 : vector<16xi32> to vector<16xi32>
      tpu.vector_store %arg5[%swap3A_189], %swap3A_192 {strides = array<i32>} : memref<2048xi32, #tpu.memory_space<vmem>>, vector<16xi32>,
      %iota3A_193 = tpu.iota {dimensions = array<i32: 0>} : vector<16xi32>
      %add3A_194 = arith.constant 384 : i32
      %add3A_195 = vector.broadcast %add3A_194 : i32 to vector<16xi32>
      %add3A_196 = arith.addi %iota3A_193, %add3A_195 : vector<16xi32>
      %swap3A_197 = arith.constant 384 : index
      %swap3A_198 = tpu.vector_load %arg5[%swap3A_197] {strides = array<i32>} : memref<2048xi32, #tpu.memory_space<vmem>>, vector<16xi32>,
      %swap3A_199 = vector.shape_cast %swap3A_198 : vector<16xi32> to vector<16xi32>
      %swap3A_200 = vector.shape_cast %add3A_196 : vector<16xi32> to vector<16xi32>
      tpu.vector_store %arg5[%swap3A_197], %swap3A_200 {strides = array<i32>} : memref<2048xi32, #tpu.memory_space<vmem>>, vector<16xi32>,
      %iota3A_201 = tpu.iota {dimensions = array<i32: 0>} : vector<16xi32>
      %add3A_202 = arith.constant 400 : i32
      %add3A_203 = vector.broadcast %add3A_202 : i32 to vector<16xi32>
      %add3A_204 = arith.addi %iota3A_201, %add3A_203 : vector<16xi32>
      %swap3A_205 = arith.constant 400 : index
      %swap3A_206 = tpu.vector_load %arg5[%swap3A_205] {strides = array<i32>} : memref<2048xi32, #tpu.memory_space<vmem>>, vector<16xi32>,
      %swap3A_207 = vector.shape_cast %swap3A_206 : vector<16xi32> to vector<16xi32>
      %swap3A_208 = vector.shape_cast %add3A_204 : vector<16xi32> to vector<16xi32>
      tpu.vector_store %arg5[%swap3A_205], %swap3A_208 {strides = array<i32>} : memref<2048xi32, #tpu.memory_space<vmem>>, vector<16xi32>,
      %iota3A_209 = tpu.iota {dimensions = array<i32: 0>} : vector<16xi32>
      %add3A_210 = arith.constant 416 : i32
      %add3A_211 = vector.broadcast %add3A_210 : i32 to vector<16xi32>
      %add3A_212 = arith.addi %iota3A_209, %add3A_211 : vector<16xi32>
      %swap3A_213 = arith.constant 416 : index
      %swap3A_214 = tpu.vector_load %arg5[%swap3A_213] {strides = array<i32>} : memref<2048xi32, #tpu.memory_space<vmem>>, vector<16xi32>,
      %swap3A_215 = vector.shape_cast %swap3A_214 : vector<16xi32> to vector<16xi32>
      %swap3A_216 = vector.shape_cast %add3A_212 : vector<16xi32> to vector<16xi32>
      tpu.vector_store %arg5[%swap3A_213], %swap3A_216 {strides = array<i32>} : memref<2048xi32, #tpu.memory_space<vmem>>, vector<16xi32>,
      %iota3A_217 = tpu.iota {dimensions = array<i32: 0>} : vector<16xi32>
      %add3A_218 = arith.constant 432 : i32
      %add3A_219 = vector.broadcast %add3A_218 : i32 to vector<16xi32>
      %add3A_220 = arith.addi %iota3A_217, %add3A_219 : vector<16xi32>
      %swap3A_221 = arith.constant 432 : index
      %swap3A_222 = tpu.vector_load %arg5[%swap3A_221] {strides = array<i32>} : memref<2048xi32, #tpu.memory_space<vmem>>, vector<16xi32>,
      %swap3A_223 = vector.shape_cast %swap3A_222 : vector<16xi32> to vector<16xi32>
      %swap3A_224 = vector.shape_cast %add3A_220 : vector<16xi32> to vector<16xi32>
      tpu.vector_store %arg5[%swap3A_221], %swap3A_224 {strides = array<i32>} : memref<2048xi32, #tpu.memory_space<vmem>>, vector<16xi32>,
      %iota3A_225 = tpu.iota {dimensions = array<i32: 0>} : vector<16xi32>
      %add3A_226 = arith.constant 448 : i32
      %add3A_227 = vector.broadcast %add3A_226 : i32 to vector<16xi32>
      %add3A_228 = arith.addi %iota3A_225, %add3A_227 : vector<16xi32>
      %swap3A_229 = arith.constant 448 : index
      %swap3A_230 = tpu.vector_load %arg5[%swap3A_229] {strides = array<i32>} : memref<2048xi32, #tpu.memory_space<vmem>>, vector<16xi32>,
      %swap3A_231 = vector.shape_cast %swap3A_230 : vector<16xi32> to vector<16xi32>
      %swap3A_232 = vector.shape_cast %add3A_228 : vector<16xi32> to vector<16xi32>
      tpu.vector_store %arg5[%swap3A_229], %swap3A_232 {strides = array<i32>} : memref<2048xi32, #tpu.memory_space<vmem>>, vector<16xi32>,
      %iota3A_233 = tpu.iota {dimensions = array<i32: 0>} : vector<16xi32>
      %add3A_234 = arith.constant 464 : i32
      %add3A_235 = vector.broadcast %add3A_234 : i32 to vector<16xi32>
      %add3A_236 = arith.addi %iota3A_233, %add3A_235 : vector<16xi32>
      %swap3A_237 = arith.constant 464 : index
      %swap3A_238 = tpu.vector_load %arg5[%swap3A_237] {strides = array<i32>} : memref<2048xi32, #tpu.memory_space<vmem>>, vector<16xi32>,
      %swap3A_239 = vector.shape_cast %swap3A_238 : vector<16xi32> to vector<16xi32>
      %swap3A_240 = vector.shape_cast %add3A_236 : vector<16xi32> to vector<16xi32>
      tpu.vector_store %arg5[%swap3A_237], %swap3A_240 {strides = array<i32>} : memref<2048xi32, #tpu.memory_space<vmem>>, vector<16xi32>,
      %iota3A_241 = tpu.iota {dimensions = array<i32: 0>} : vector<16xi32>
      %add3A_242 = arith.constant 480 : i32
      %add3A_243 = vector.broadcast %add3A_242 : i32 to vector<16xi32>
      %add3A_244 = arith.addi %iota3A_241, %add3A_243 : vector<16xi32>
      %swap3A_245 = arith.constant 480 : index
      %swap3A_246 = tpu.vector_load %arg5[%swap3A_245] {strides = array<i32>} : memref<2048xi32, #tpu.memory_space<vmem>>, vector<16xi32>,
      %swap3A_247 = vector.shape_cast %swap3A_246 : vector<16xi32> to vector<16xi32>
      %swap3A_248 = vector.shape_cast %add3A_244 : vector<16xi32> to vector<16xi32>
      tpu.vector_store %arg5[%swap3A_245], %swap3A_248 {strides = array<i32>} : memref<2048xi32, #tpu.memory_space<vmem>>, vector<16xi32>,
      %iota3A_249 = tpu.iota {dimensions = array<i32: 0>} : vector<16xi32>
      %add3A_250 = arith.constant 496 : i32
      %add3A_251 = vector.broadcast %add3A_250 : i32 to vector<16xi32>
      %add3A_252 = arith.addi %iota3A_249, %add3A_251 : vector<16xi32>
      %swap3A_253 = arith.constant 496 : index
      %swap3A_254 = tpu.vector_load %arg5[%swap3A_253] {strides = array<i32>} : memref<2048xi32, #tpu.memory_space<vmem>>, vector<16xi32>,
      %swap3A_255 = vector.shape_cast %swap3A_254 : vector<16xi32> to vector<16xi32>
      %swap3A_256 = vector.shape_cast %add3A_252 : vector<16xi32> to vector<16xi32>
      tpu.vector_store %arg5[%swap3A_253], %swap3A_256 {strides = array<i32>} : memref<2048xi32, #tpu.memory_space<vmem>>, vector<16xi32>,
      %iota3A_257 = tpu.iota {dimensions = array<i32: 0>} : vector<16xi32>
      %add3A_258 = arith.constant 512 : i32
      %add3A_259 = vector.broadcast %add3A_258 : i32 to vector<16xi32>
      %add3A_260 = arith.addi %iota3A_257, %add3A_259 : vector<16xi32>
      %swap3A_261 = arith.constant 512 : index
      %swap3A_262 = tpu.vector_load %arg5[%swap3A_261] {strides = array<i32>} : memref<2048xi32, #tpu.memory_space<vmem>>, vector<16xi32>,
      %swap3A_263 = vector.shape_cast %swap3A_262 : vector<16xi32> to vector<16xi32>
      %swap3A_264 = vector.shape_cast %add3A_260 : vector<16xi32> to vector<16xi32>
      tpu.vector_store %arg5[%swap3A_261], %swap3A_264 {strides = array<i32>} : memref<2048xi32, #tpu.memory_space<vmem>>, vector<16xi32>,
      %iota3A_265 = tpu.iota {dimensions = array<i32: 0>} : vector<16xi32>
      %add3A_266 = arith.constant 528 : i32
      %add3A_267 = vector.broadcast %add3A_266 : i32 to vector<16xi32>
      %add3A_268 = arith.addi %iota3A_265, %add3A_267 : vector<16xi32>
      %swap3A_269 = arith.constant 528 : index
      %swap3A_270 = tpu.vector_load %arg5[%swap3A_269] {strides = array<i32>} : memref<2048xi32, #tpu.memory_space<vmem>>, vector<16xi32>,
      %swap3A_271 = vector.shape_cast %swap3A_270 : vector<16xi32> to vector<16xi32>
      %swap3A_272 = vector.shape_cast %add3A_268 : vector<16xi32> to vector<16xi32>
      tpu.vector_store %arg5[%swap3A_269], %swap3A_272 {strides = array<i32>} : memref<2048xi32, #tpu.memory_space<vmem>>, vector<16xi32>,
      %iota3A_273 = tpu.iota {dimensions = array<i32: 0>} : vector<16xi32>
      %add3A_274 = arith.constant 544 : i32
      %add3A_275 = vector.broadcast %add3A_274 : i32 to vector<16xi32>
      %add3A_276 = arith.addi %iota3A_273, %add3A_275 : vector<16xi32>
      %swap3A_277 = arith.constant 544 : index
      %swap3A_278 = tpu.vector_load %arg5[%swap3A_277] {strides = array<i32>} : memref<2048xi32, #tpu.memory_space<vmem>>, vector<16xi32>,
      %swap3A_279 = vector.shape_cast %swap3A_278 : vector<16xi32> to vector<16xi32>
      %swap3A_280 = vector.shape_cast %add3A_276 : vector<16xi32> to vector<16xi32>
      tpu.vector_store %arg5[%swap3A_277], %swap3A_280 {strides = array<i32>} : memref<2048xi32, #tpu.memory_space<vmem>>, vector<16xi32>,
      %iota3A_281 = tpu.iota {dimensions = array<i32: 0>} : vector<16xi32>
      %add3A_282 = arith.constant 560 : i32
      %add3A_283 = vector.broadcast %add3A_282 : i32 to vector<16xi32>
      %add3A_284 = arith.addi %iota3A_281, %add3A_283 : vector<16xi32>
      %swap3A_285 = arith.constant 560 : index
      %swap3A_286 = tpu.vector_load %arg5[%swap3A_285] {strides = array<i32>} : memref<2048xi32, #tpu.memory_space<vmem>>, vector<16xi32>,
      %swap3A_287 = vector.shape_cast %swap3A_286 : vector<16xi32> to vector<16xi32>
      %swap3A_288 = vector.shape_cast %add3A_284 : vector<16xi32> to vector<16xi32>
      tpu.vector_store %arg5[%swap3A_285], %swap3A_288 {strides = array<i32>} : memref<2048xi32, #tpu.memory_space<vmem>>, vector<16xi32>,
      %iota3A_289 = tpu.iota {dimensions = array<i32: 0>} : vector<16xi32>
      %add3A_290 = arith.constant 576 : i32
      %add3A_291 = vector.broadcast %add3A_290 : i32 to vector<16xi32>
      %add3A_292 = arith.addi %iota3A_289, %add3A_291 : vector<16xi32>
      %swap3A_293 = arith.constant 576 : index
      %swap3A_294 = tpu.vector_load %arg5[%swap3A_293] {strides = array<i32>} : memref<2048xi32, #tpu.memory_space<vmem>>, vector<16xi32>,
      %swap3A_295 = vector.shape_cast %swap3A_294 : vector<16xi32> to vector<16xi32>
      %swap3A_296 = vector.shape_cast %add3A_292 : vector<16xi32> to vector<16xi32>
      tpu.vector_store %arg5[%swap3A_293], %swap3A_296 {strides = array<i32>} : memref<2048xi32, #tpu.memory_space<vmem>>, vector<16xi32>,
      %iota3A_297 = tpu.iota {dimensions = array<i32: 0>} : vector<16xi32>
      %add3A_298 = arith.constant 592 : i32
      %add3A_299 = vector.broadcast %add3A_298 : i32 to vector<16xi32>
      %add3A_300 = arith.addi %iota3A_297, %add3A_299 : vector<16xi32>
      %swap3A_301 = arith.constant 592 : index
      %swap3A_302 = tpu.vector_load %arg5[%swap3A_301] {strides = array<i32>} : memref<2048xi32, #tpu.memory_space<vmem>>, vector<16xi32>,
      %swap3A_303 = vector.shape_cast %swap3A_302 : vector<16xi32> to vector<16xi32>
      %swap3A_304 = vector.shape_cast %add3A_300 : vector<16xi32> to vector<16xi32>
      tpu.vector_store %arg5[%swap3A_301], %swap3A_304 {strides = array<i32>} : memref<2048xi32, #tpu.memory_space<vmem>>, vector<16xi32>,
      %iota3A_305 = tpu.iota {dimensions = array<i32: 0>} : vector<16xi32>
      %add3A_306 = arith.constant 608 : i32
      %add3A_307 = vector.broadcast %add3A_306 : i32 to vector<16xi32>
      %add3A_308 = arith.addi %iota3A_305, %add3A_307 : vector<16xi32>
      %swap3A_309 = arith.constant 608 : index
      %swap3A_310 = tpu.vector_load %arg5[%swap3A_309] {strides = array<i32>} : memref<2048xi32, #tpu.memory_space<vmem>>, vector<16xi32>,
      %swap3A_311 = vector.shape_cast %swap3A_310 : vector<16xi32> to vector<16xi32>
      %swap3A_312 = vector.shape_cast %add3A_308 : vector<16xi32> to vector<16xi32>
      tpu.vector_store %arg5[%swap3A_309], %swap3A_312 {strides = array<i32>} : memref<2048xi32, #tpu.memory_space<vmem>>, vector<16xi32>,
      %iota3A_313 = tpu.iota {dimensions = array<i32: 0>} : vector<16xi32>
      %add3A_314 = arith.constant 624 : i32
      %add3A_315 = vector.broadcast %add3A_314 : i32 to vector<16xi32>
      %add3A_316 = arith.addi %iota3A_313, %add3A_315 : vector<16xi32>
      %swap3A_317 = arith.constant 624 : index
      %swap3A_318 = tpu.vector_load %arg5[%swap3A_317] {strides = array<i32>} : memref<2048xi32, #tpu.memory_space<vmem>>, vector<16xi32>,
      %swap3A_319 = vector.shape_cast %swap3A_318 : vector<16xi32> to vector<16xi32>
      %swap3A_320 = vector.shape_cast %add3A_316 : vector<16xi32> to vector<16xi32>
      tpu.vector_store %arg5[%swap3A_317], %swap3A_320 {strides = array<i32>} : memref<2048xi32, #tpu.memory_space<vmem>>, vector<16xi32>,
      %iota3A_321 = tpu.iota {dimensions = array<i32: 0>} : vector<16xi32>
      %add3A_322 = arith.constant 640 : i32
      %add3A_323 = vector.broadcast %add3A_322 : i32 to vector<16xi32>
      %add3A_324 = arith.addi %iota3A_321, %add3A_323 : vector<16xi32>
      %swap3A_325 = arith.constant 640 : index
      %swap3A_326 = tpu.vector_load %arg5[%swap3A_325] {strides = array<i32>} : memref<2048xi32, #tpu.memory_space<vmem>>, vector<16xi32>,
      %swap3A_327 = vector.shape_cast %swap3A_326 : vector<16xi32> to vector<16xi32>
      %swap3A_328 = vector.shape_cast %add3A_324 : vector<16xi32> to vector<16xi32>
      tpu.vector_store %arg5[%swap3A_325], %swap3A_328 {strides = array<i32>} : memref<2048xi32, #tpu.memory_space<vmem>>, vector<16xi32>,
      %iota3A_329 = tpu.iota {dimensions = array<i32: 0>} : vector<16xi32>
      %add3A_330 = arith.constant 656 : i32
      %add3A_331 = vector.broadcast %add3A_330 : i32 to vector<16xi32>
      %add3A_332 = arith.addi %iota3A_329, %add3A_331 : vector<16xi32>
      %swap3A_333 = arith.constant 656 : index
      %swap3A_334 = tpu.vector_load %arg5[%swap3A_333] {strides = array<i32>} : memref<2048xi32, #tpu.memory_space<vmem>>, vector<16xi32>,
      %swap3A_335 = vector.shape_cast %swap3A_334 : vector<16xi32> to vector<16xi32>
      %swap3A_336 = vector.shape_cast %add3A_332 : vector<16xi32> to vector<16xi32>
      tpu.vector_store %arg5[%swap3A_333], %swap3A_336 {strides = array<i32>} : memref<2048xi32, #tpu.memory_space<vmem>>, vector<16xi32>,
      %iota3A_337 = tpu.iota {dimensions = array<i32: 0>} : vector<16xi32>
      %add3A_338 = arith.constant 672 : i32
      %add3A_339 = vector.broadcast %add3A_338 : i32 to vector<16xi32>
      %add3A_340 = arith.addi %iota3A_337, %add3A_339 : vector<16xi32>
      %swap3A_341 = arith.constant 672 : index
      %swap3A_342 = tpu.vector_load %arg5[%swap3A_341] {strides = array<i32>} : memref<2048xi32, #tpu.memory_space<vmem>>, vector<16xi32>,
      %swap3A_343 = vector.shape_cast %swap3A_342 : vector<16xi32> to vector<16xi32>
      %swap3A_344 = vector.shape_cast %add3A_340 : vector<16xi32> to vector<16xi32>
      tpu.vector_store %arg5[%swap3A_341], %swap3A_344 {strides = array<i32>} : memref<2048xi32, #tpu.memory_space<vmem>>, vector<16xi32>,
      %iota3A_345 = tpu.iota {dimensions = array<i32: 0>} : vector<16xi32>
      %add3A_346 = arith.constant 688 : i32
      %add3A_347 = vector.broadcast %add3A_346 : i32 to vector<16xi32>
      %add3A_348 = arith.addi %iota3A_345, %add3A_347 : vector<16xi32>
      %swap3A_349 = arith.constant 688 : index
      %swap3A_350 = tpu.vector_load %arg5[%swap3A_349] {strides = array<i32>} : memref<2048xi32, #tpu.memory_space<vmem>>, vector<16xi32>,
      %swap3A_351 = vector.shape_cast %swap3A_350 : vector<16xi32> to vector<16xi32>
      %swap3A_352 = vector.shape_cast %add3A_348 : vector<16xi32> to vector<16xi32>
      tpu.vector_store %arg5[%swap3A_349], %swap3A_352 {strides = array<i32>} : memref<2048xi32, #tpu.memory_space<vmem>>, vector<16xi32>,
      %iota3A_353 = tpu.iota {dimensions = array<i32: 0>} : vector<16xi32>
      %add3A_354 = arith.constant 704 : i32
      %add3A_355 = vector.broadcast %add3A_354 : i32 to vector<16xi32>
      %add3A_356 = arith.addi %iota3A_353, %add3A_355 : vector<16xi32>
      %swap3A_357 = arith.constant 704 : index
      %swap3A_358 = tpu.vector_load %arg5[%swap3A_357] {strides = array<i32>} : memref<2048xi32, #tpu.memory_space<vmem>>, vector<16xi32>,
      %swap3A_359 = vector.shape_cast %swap3A_358 : vector<16xi32> to vector<16xi32>
      %swap3A_360 = vector.shape_cast %add3A_356 : vector<16xi32> to vector<16xi32>
      tpu.vector_store %arg5[%swap3A_357], %swap3A_360 {strides = array<i32>} : memref<2048xi32, #tpu.memory_space<vmem>>, vector<16xi32>,
      %iota3A_361 = tpu.iota {dimensions = array<i32: 0>} : vector<16xi32>
      %add3A_362 = arith.constant 720 : i32
      %add3A_363 = vector.broadcast %add3A_362 : i32 to vector<16xi32>
      %add3A_364 = arith.addi %iota3A_361, %add3A_363 : vector<16xi32>
      %swap3A_365 = arith.constant 720 : index
      %swap3A_366 = tpu.vector_load %arg5[%swap3A_365] {strides = array<i32>} : memref<2048xi32, #tpu.memory_space<vmem>>, vector<16xi32>,
      %swap3A_367 = vector.shape_cast %swap3A_366 : vector<16xi32> to vector<16xi32>
      %swap3A_368 = vector.shape_cast %add3A_364 : vector<16xi32> to vector<16xi32>
      tpu.vector_store %arg5[%swap3A_365], %swap3A_368 {strides = array<i32>} : memref<2048xi32, #tpu.memory_space<vmem>>, vector<16xi32>,
      %iota3A_369 = tpu.iota {dimensions = array<i32: 0>} : vector<16xi32>
      %add3A_370 = arith.constant 736 : i32
      %add3A_371 = vector.broadcast %add3A_370 : i32 to vector<16xi32>
      %add3A_372 = arith.addi %iota3A_369, %add3A_371 : vector<16xi32>
      %swap3A_373 = arith.constant 736 : index
      %swap3A_374 = tpu.vector_load %arg5[%swap3A_373] {strides = array<i32>} : memref<2048xi32, #tpu.memory_space<vmem>>, vector<16xi32>,
      %swap3A_375 = vector.shape_cast %swap3A_374 : vector<16xi32> to vector<16xi32>
      %swap3A_376 = vector.shape_cast %add3A_372 : vector<16xi32> to vector<16xi32>
      tpu.vector_store %arg5[%swap3A_373], %swap3A_376 {strides = array<i32>} : memref<2048xi32, #tpu.memory_space<vmem>>, vector<16xi32>,
      %iota3A_377 = tpu.iota {dimensions = array<i32: 0>} : vector<16xi32>
      %add3A_378 = arith.constant 752 : i32
      %add3A_379 = vector.broadcast %add3A_378 : i32 to vector<16xi32>
      %add3A_380 = arith.addi %iota3A_377, %add3A_379 : vector<16xi32>
      %swap3A_381 = arith.constant 752 : index
      %swap3A_382 = tpu.vector_load %arg5[%swap3A_381] {strides = array<i32>} : memref<2048xi32, #tpu.memory_space<vmem>>, vector<16xi32>,
      %swap3A_383 = vector.shape_cast %swap3A_382 : vector<16xi32> to vector<16xi32>
      %swap3A_384 = vector.shape_cast %add3A_380 : vector<16xi32> to vector<16xi32>
      tpu.vector_store %arg5[%swap3A_381], %swap3A_384 {strides = array<i32>} : memref<2048xi32, #tpu.memory_space<vmem>>, vector<16xi32>,
      %iota3A_385 = tpu.iota {dimensions = array<i32: 0>} : vector<16xi32>
      %add3A_386 = arith.constant 768 : i32
      %add3A_387 = vector.broadcast %add3A_386 : i32 to vector<16xi32>
      %add3A_388 = arith.addi %iota3A_385, %add3A_387 : vector<16xi32>
      %swap3A_389 = arith.constant 768 : index
      %swap3A_390 = tpu.vector_load %arg5[%swap3A_389] {strides = array<i32>} : memref<2048xi32, #tpu.memory_space<vmem>>, vector<16xi32>,
      %swap3A_391 = vector.shape_cast %swap3A_390 : vector<16xi32> to vector<16xi32>
      %swap3A_392 = vector.shape_cast %add3A_388 : vector<16xi32> to vector<16xi32>
      tpu.vector_store %arg5[%swap3A_389], %swap3A_392 {strides = array<i32>} : memref<2048xi32, #tpu.memory_space<vmem>>, vector<16xi32>,
      %iota3A_393 = tpu.iota {dimensions = array<i32: 0>} : vector<16xi32>
      %add3A_394 = arith.constant 784 : i32
      %add3A_395 = vector.broadcast %add3A_394 : i32 to vector<16xi32>
      %add3A_396 = arith.addi %iota3A_393, %add3A_395 : vector<16xi32>
      %swap3A_397 = arith.constant 784 : index
      %swap3A_398 = tpu.vector_load %arg5[%swap3A_397] {strides = array<i32>} : memref<2048xi32, #tpu.memory_space<vmem>>, vector<16xi32>,
      %swap3A_399 = vector.shape_cast %swap3A_398 : vector<16xi32> to vector<16xi32>
      %swap3A_400 = vector.shape_cast %add3A_396 : vector<16xi32> to vector<16xi32>
      tpu.vector_store %arg5[%swap3A_397], %swap3A_400 {strides = array<i32>} : memref<2048xi32, #tpu.memory_space<vmem>>, vector<16xi32>,
      %iota3A_401 = tpu.iota {dimensions = array<i32: 0>} : vector<16xi32>
      %add3A_402 = arith.constant 800 : i32
      %add3A_403 = vector.broadcast %add3A_402 : i32 to vector<16xi32>
      %add3A_404 = arith.addi %iota3A_401, %add3A_403 : vector<16xi32>
      %swap3A_405 = arith.constant 800 : index
      %swap3A_406 = tpu.vector_load %arg5[%swap3A_405] {strides = array<i32>} : memref<2048xi32, #tpu.memory_space<vmem>>, vector<16xi32>,
      %swap3A_407 = vector.shape_cast %swap3A_406 : vector<16xi32> to vector<16xi32>
      %swap3A_408 = vector.shape_cast %add3A_404 : vector<16xi32> to vector<16xi32>
      tpu.vector_store %arg5[%swap3A_405], %swap3A_408 {strides = array<i32>} : memref<2048xi32, #tpu.memory_space<vmem>>, vector<16xi32>,
      %iota3A_409 = tpu.iota {dimensions = array<i32: 0>} : vector<16xi32>
      %add3A_410 = arith.constant 816 : i32
      %add3A_411 = vector.broadcast %add3A_410 : i32 to vector<16xi32>
      %add3A_412 = arith.addi %iota3A_409, %add3A_411 : vector<16xi32>
      %swap3A_413 = arith.constant 816 : index
      %swap3A_414 = tpu.vector_load %arg5[%swap3A_413] {strides = array<i32>} : memref<2048xi32, #tpu.memory_space<vmem>>, vector<16xi32>,
      %swap3A_415 = vector.shape_cast %swap3A_414 : vector<16xi32> to vector<16xi32>
      %swap3A_416 = vector.shape_cast %add3A_412 : vector<16xi32> to vector<16xi32>
      tpu.vector_store %arg5[%swap3A_413], %swap3A_416 {strides = array<i32>} : memref<2048xi32, #tpu.memory_space<vmem>>, vector<16xi32>,
      %iota3A_417 = tpu.iota {dimensions = array<i32: 0>} : vector<16xi32>
      %add3A_418 = arith.constant 832 : i32
      %add3A_419 = vector.broadcast %add3A_418 : i32 to vector<16xi32>
      %add3A_420 = arith.addi %iota3A_417, %add3A_419 : vector<16xi32>
      %swap3A_421 = arith.constant 832 : index
      %swap3A_422 = tpu.vector_load %arg5[%swap3A_421] {strides = array<i32>} : memref<2048xi32, #tpu.memory_space<vmem>>, vector<16xi32>,
      %swap3A_423 = vector.shape_cast %swap3A_422 : vector<16xi32> to vector<16xi32>
      %swap3A_424 = vector.shape_cast %add3A_420 : vector<16xi32> to vector<16xi32>
      tpu.vector_store %arg5[%swap3A_421], %swap3A_424 {strides = array<i32>} : memref<2048xi32, #tpu.memory_space<vmem>>, vector<16xi32>,
      %iota3A_425 = tpu.iota {dimensions = array<i32: 0>} : vector<16xi32>
      %add3A_426 = arith.constant 848 : i32
      %add3A_427 = vector.broadcast %add3A_426 : i32 to vector<16xi32>
      %add3A_428 = arith.addi %iota3A_425, %add3A_427 : vector<16xi32>
      %swap3A_429 = arith.constant 848 : index
      %swap3A_430 = tpu.vector_load %arg5[%swap3A_429] {strides = array<i32>} : memref<2048xi32, #tpu.memory_space<vmem>>, vector<16xi32>,
      %swap3A_431 = vector.shape_cast %swap3A_430 : vector<16xi32> to vector<16xi32>
      %swap3A_432 = vector.shape_cast %add3A_428 : vector<16xi32> to vector<16xi32>
      tpu.vector_store %arg5[%swap3A_429], %swap3A_432 {strides = array<i32>} : memref<2048xi32, #tpu.memory_space<vmem>>, vector<16xi32>,
      %iota3A_433 = tpu.iota {dimensions = array<i32: 0>} : vector<16xi32>
      %add3A_434 = arith.constant 864 : i32
      %add3A_435 = vector.broadcast %add3A_434 : i32 to vector<16xi32>
      %add3A_436 = arith.addi %iota3A_433, %add3A_435 : vector<16xi32>
      %swap3A_437 = arith.constant 864 : index
      %swap3A_438 = tpu.vector_load %arg5[%swap3A_437] {strides = array<i32>} : memref<2048xi32, #tpu.memory_space<vmem>>, vector<16xi32>,
      %swap3A_439 = vector.shape_cast %swap3A_438 : vector<16xi32> to vector<16xi32>
      %swap3A_440 = vector.shape_cast %add3A_436 : vector<16xi32> to vector<16xi32>
      tpu.vector_store %arg5[%swap3A_437], %swap3A_440 {strides = array<i32>} : memref<2048xi32, #tpu.memory_space<vmem>>, vector<16xi32>,
      %iota3A_441 = tpu.iota {dimensions = array<i32: 0>} : vector<16xi32>
      %add3A_442 = arith.constant 880 : i32
      %add3A_443 = vector.broadcast %add3A_442 : i32 to vector<16xi32>
      %add3A_444 = arith.addi %iota3A_441, %add3A_443 : vector<16xi32>
      %swap3A_445 = arith.constant 880 : index
      %swap3A_446 = tpu.vector_load %arg5[%swap3A_445] {strides = array<i32>} : memref<2048xi32, #tpu.memory_space<vmem>>, vector<16xi32>,
      %swap3A_447 = vector.shape_cast %swap3A_446 : vector<16xi32> to vector<16xi32>
      %swap3A_448 = vector.shape_cast %add3A_444 : vector<16xi32> to vector<16xi32>
      tpu.vector_store %arg5[%swap3A_445], %swap3A_448 {strides = array<i32>} : memref<2048xi32, #tpu.memory_space<vmem>>, vector<16xi32>,
      %iota3A_449 = tpu.iota {dimensions = array<i32: 0>} : vector<16xi32>
      %add3A_450 = arith.constant 896 : i32
      %add3A_451 = vector.broadcast %add3A_450 : i32 to vector<16xi32>
      %add3A_452 = arith.addi %iota3A_449, %add3A_451 : vector<16xi32>
      %swap3A_453 = arith.constant 896 : index
      %swap3A_454 = tpu.vector_load %arg5[%swap3A_453] {strides = array<i32>} : memref<2048xi32, #tpu.memory_space<vmem>>, vector<16xi32>,
      %swap3A_455 = vector.shape_cast %swap3A_454 : vector<16xi32> to vector<16xi32>
      %swap3A_456 = vector.shape_cast %add3A_452 : vector<16xi32> to vector<16xi32>
      tpu.vector_store %arg5[%swap3A_453], %swap3A_456 {strides = array<i32>} : memref<2048xi32, #tpu.memory_space<vmem>>, vector<16xi32>,
      %iota3A_457 = tpu.iota {dimensions = array<i32: 0>} : vector<16xi32>
      %add3A_458 = arith.constant 912 : i32
      %add3A_459 = vector.broadcast %add3A_458 : i32 to vector<16xi32>
      %add3A_460 = arith.addi %iota3A_457, %add3A_459 : vector<16xi32>
      %swap3A_461 = arith.constant 912 : index
      %swap3A_462 = tpu.vector_load %arg5[%swap3A_461] {strides = array<i32>} : memref<2048xi32, #tpu.memory_space<vmem>>, vector<16xi32>,
      %swap3A_463 = vector.shape_cast %swap3A_462 : vector<16xi32> to vector<16xi32>
      %swap3A_464 = vector.shape_cast %add3A_460 : vector<16xi32> to vector<16xi32>
      tpu.vector_store %arg5[%swap3A_461], %swap3A_464 {strides = array<i32>} : memref<2048xi32, #tpu.memory_space<vmem>>, vector<16xi32>,
      %iota3A_465 = tpu.iota {dimensions = array<i32: 0>} : vector<16xi32>
      %add3A_466 = arith.constant 928 : i32
      %add3A_467 = vector.broadcast %add3A_466 : i32 to vector<16xi32>
      %add3A_468 = arith.addi %iota3A_465, %add3A_467 : vector<16xi32>
      %swap3A_469 = arith.constant 928 : index
      %swap3A_470 = tpu.vector_load %arg5[%swap3A_469] {strides = array<i32>} : memref<2048xi32, #tpu.memory_space<vmem>>, vector<16xi32>,
      %swap3A_471 = vector.shape_cast %swap3A_470 : vector<16xi32> to vector<16xi32>
      %swap3A_472 = vector.shape_cast %add3A_468 : vector<16xi32> to vector<16xi32>
      tpu.vector_store %arg5[%swap3A_469], %swap3A_472 {strides = array<i32>} : memref<2048xi32, #tpu.memory_space<vmem>>, vector<16xi32>,
      %iota3A_473 = tpu.iota {dimensions = array<i32: 0>} : vector<16xi32>
      %add3A_474 = arith.constant 944 : i32
      %add3A_475 = vector.broadcast %add3A_474 : i32 to vector<16xi32>
      %add3A_476 = arith.addi %iota3A_473, %add3A_475 : vector<16xi32>
      %swap3A_477 = arith.constant 944 : index
      %swap3A_478 = tpu.vector_load %arg5[%swap3A_477] {strides = array<i32>} : memref<2048xi32, #tpu.memory_space<vmem>>, vector<16xi32>,
      %swap3A_479 = vector.shape_cast %swap3A_478 : vector<16xi32> to vector<16xi32>
      %swap3A_480 = vector.shape_cast %add3A_476 : vector<16xi32> to vector<16xi32>
      tpu.vector_store %arg5[%swap3A_477], %swap3A_480 {strides = array<i32>} : memref<2048xi32, #tpu.memory_space<vmem>>, vector<16xi32>,
      %iota3A_481 = tpu.iota {dimensions = array<i32: 0>} : vector<16xi32>
      %add3A_482 = arith.constant 960 : i32
      %add3A_483 = vector.broadcast %add3A_482 : i32 to vector<16xi32>
      %add3A_484 = arith.addi %iota3A_481, %add3A_483 : vector<16xi32>
      %swap3A_485 = arith.constant 960 : index
      %swap3A_486 = tpu.vector_load %arg5[%swap3A_485] {strides = array<i32>} : memref<2048xi32, #tpu.memory_space<vmem>>, vector<16xi32>,
      %swap3A_487 = vector.shape_cast %swap3A_486 : vector<16xi32> to vector<16xi32>
      %swap3A_488 = vector.shape_cast %add3A_484 : vector<16xi32> to vector<16xi32>
      tpu.vector_store %arg5[%swap3A_485], %swap3A_488 {strides = array<i32>} : memref<2048xi32, #tpu.memory_space<vmem>>, vector<16xi32>,
      %iota3A_489 = tpu.iota {dimensions = array<i32: 0>} : vector<16xi32>
      %add3A_490 = arith.constant 976 : i32
      %add3A_491 = vector.broadcast %add3A_490 : i32 to vector<16xi32>
      %add3A_492 = arith.addi %iota3A_489, %add3A_491 : vector<16xi32>
      %swap3A_493 = arith.constant 976 : index
      %swap3A_494 = tpu.vector_load %arg5[%swap3A_493] {strides = array<i32>} : memref<2048xi32, #tpu.memory_space<vmem>>, vector<16xi32>,
      %swap3A_495 = vector.shape_cast %swap3A_494 : vector<16xi32> to vector<16xi32>
      %swap3A_496 = vector.shape_cast %add3A_492 : vector<16xi32> to vector<16xi32>
      tpu.vector_store %arg5[%swap3A_493], %swap3A_496 {strides = array<i32>} : memref<2048xi32, #tpu.memory_space<vmem>>, vector<16xi32>,
      %iota3A_497 = tpu.iota {dimensions = array<i32: 0>} : vector<16xi32>
      %add3A_498 = arith.constant 992 : i32
      %add3A_499 = vector.broadcast %add3A_498 : i32 to vector<16xi32>
      %add3A_500 = arith.addi %iota3A_497, %add3A_499 : vector<16xi32>
      %swap3A_501 = arith.constant 992 : index
      %swap3A_502 = tpu.vector_load %arg5[%swap3A_501] {strides = array<i32>} : memref<2048xi32, #tpu.memory_space<vmem>>, vector<16xi32>,
      %swap3A_503 = vector.shape_cast %swap3A_502 : vector<16xi32> to vector<16xi32>
      %swap3A_504 = vector.shape_cast %add3A_500 : vector<16xi32> to vector<16xi32>
      tpu.vector_store %arg5[%swap3A_501], %swap3A_504 {strides = array<i32>} : memref<2048xi32, #tpu.memory_space<vmem>>, vector<16xi32>,
      %iota3A_505 = tpu.iota {dimensions = array<i32: 0>} : vector<16xi32>
      %add3A_506 = arith.constant 1008 : i32
      %add3A_507 = vector.broadcast %add3A_506 : i32 to vector<16xi32>
      %add3A_508 = arith.addi %iota3A_505, %add3A_507 : vector<16xi32>
      %swap3A_509 = arith.constant 1008 : index
      %swap3A_510 = tpu.vector_load %arg5[%swap3A_509] {strides = array<i32>} : memref<2048xi32, #tpu.memory_space<vmem>>, vector<16xi32>,
      %swap3A_511 = vector.shape_cast %swap3A_510 : vector<16xi32> to vector<16xi32>
      %swap3A_512 = vector.shape_cast %add3A_508 : vector<16xi32> to vector<16xi32>
      tpu.vector_store %arg5[%swap3A_509], %swap3A_512 {strides = array<i32>} : memref<2048xi32, #tpu.memory_space<vmem>>, vector<16xi32>,
      %iota3A_513 = tpu.iota {dimensions = array<i32: 0>} : vector<16xi32>
      %add3A_514 = arith.constant 1024 : i32
      %add3A_515 = vector.broadcast %add3A_514 : i32 to vector<16xi32>
      %add3A_516 = arith.addi %iota3A_513, %add3A_515 : vector<16xi32>
      %swap3A_517 = arith.constant 1024 : index
      %swap3A_518 = tpu.vector_load %arg5[%swap3A_517] {strides = array<i32>} : memref<2048xi32, #tpu.memory_space<vmem>>, vector<16xi32>,
      %swap3A_519 = vector.shape_cast %swap3A_518 : vector<16xi32> to vector<16xi32>
      %swap3A_520 = vector.shape_cast %add3A_516 : vector<16xi32> to vector<16xi32>
      tpu.vector_store %arg5[%swap3A_517], %swap3A_520 {strides = array<i32>} : memref<2048xi32, #tpu.memory_space<vmem>>, vector<16xi32>,
      %iota3A_521 = tpu.iota {dimensions = array<i32: 0>} : vector<16xi32>
      %add3A_522 = arith.constant 1040 : i32
      %add3A_523 = vector.broadcast %add3A_522 : i32 to vector<16xi32>
      %add3A_524 = arith.addi %iota3A_521, %add3A_523 : vector<16xi32>
      %swap3A_525 = arith.constant 1040 : index
      %swap3A_526 = tpu.vector_load %arg5[%swap3A_525] {strides = array<i32>} : memref<2048xi32, #tpu.memory_space<vmem>>, vector<16xi32>,
      %swap3A_527 = vector.shape_cast %swap3A_526 : vector<16xi32> to vector<16xi32>
      %swap3A_528 = vector.shape_cast %add3A_524 : vector<16xi32> to vector<16xi32>
      tpu.vector_store %arg5[%swap3A_525], %swap3A_528 {strides = array<i32>} : memref<2048xi32, #tpu.memory_space<vmem>>, vector<16xi32>,
      %iota3A_529 = tpu.iota {dimensions = array<i32: 0>} : vector<16xi32>
      %add3A_530 = arith.constant 1056 : i32
      %add3A_531 = vector.broadcast %add3A_530 : i32 to vector<16xi32>
      %add3A_532 = arith.addi %iota3A_529, %add3A_531 : vector<16xi32>
      %swap3A_533 = arith.constant 1056 : index
      %swap3A_534 = tpu.vector_load %arg5[%swap3A_533] {strides = array<i32>} : memref<2048xi32, #tpu.memory_space<vmem>>, vector<16xi32>,
      %swap3A_535 = vector.shape_cast %swap3A_534 : vector<16xi32> to vector<16xi32>
      %swap3A_536 = vector.shape_cast %add3A_532 : vector<16xi32> to vector<16xi32>
      tpu.vector_store %arg5[%swap3A_533], %swap3A_536 {strides = array<i32>} : memref<2048xi32, #tpu.memory_space<vmem>>, vector<16xi32>,
      %iota3A_537 = tpu.iota {dimensions = array<i32: 0>} : vector<16xi32>
      %add3A_538 = arith.constant 1072 : i32
      %add3A_539 = vector.broadcast %add3A_538 : i32 to vector<16xi32>
      %add3A_540 = arith.addi %iota3A_537, %add3A_539 : vector<16xi32>
      %swap3A_541 = arith.constant 1072 : index
      %swap3A_542 = tpu.vector_load %arg5[%swap3A_541] {strides = array<i32>} : memref<2048xi32, #tpu.memory_space<vmem>>, vector<16xi32>,
      %swap3A_543 = vector.shape_cast %swap3A_542 : vector<16xi32> to vector<16xi32>
      %swap3A_544 = vector.shape_cast %add3A_540 : vector<16xi32> to vector<16xi32>
      tpu.vector_store %arg5[%swap3A_541], %swap3A_544 {strides = array<i32>} : memref<2048xi32, #tpu.memory_space<vmem>>, vector<16xi32>,
      %iota3A_545 = tpu.iota {dimensions = array<i32: 0>} : vector<16xi32>
      %add3A_546 = arith.constant 1088 : i32
      %add3A_547 = vector.broadcast %add3A_546 : i32 to vector<16xi32>
      %add3A_548 = arith.addi %iota3A_545, %add3A_547 : vector<16xi32>
      %swap3A_549 = arith.constant 1088 : index
      %swap3A_550 = tpu.vector_load %arg5[%swap3A_549] {strides = array<i32>} : memref<2048xi32, #tpu.memory_space<vmem>>, vector<16xi32>,
      %swap3A_551 = vector.shape_cast %swap3A_550 : vector<16xi32> to vector<16xi32>
      %swap3A_552 = vector.shape_cast %add3A_548 : vector<16xi32> to vector<16xi32>
      tpu.vector_store %arg5[%swap3A_549], %swap3A_552 {strides = array<i32>} : memref<2048xi32, #tpu.memory_space<vmem>>, vector<16xi32>,
      %iota3A_553 = tpu.iota {dimensions = array<i32: 0>} : vector<16xi32>
      %add3A_554 = arith.constant 1104 : i32
      %add3A_555 = vector.broadcast %add3A_554 : i32 to vector<16xi32>
      %add3A_556 = arith.addi %iota3A_553, %add3A_555 : vector<16xi32>
      %swap3A_557 = arith.constant 1104 : index
      %swap3A_558 = tpu.vector_load %arg5[%swap3A_557] {strides = array<i32>} : memref<2048xi32, #tpu.memory_space<vmem>>, vector<16xi32>,
      %swap3A_559 = vector.shape_cast %swap3A_558 : vector<16xi32> to vector<16xi32>
      %swap3A_560 = vector.shape_cast %add3A_556 : vector<16xi32> to vector<16xi32>
      tpu.vector_store %arg5[%swap3A_557], %swap3A_560 {strides = array<i32>} : memref<2048xi32, #tpu.memory_space<vmem>>, vector<16xi32>,
      %iota3A_561 = tpu.iota {dimensions = array<i32: 0>} : vector<16xi32>
      %add3A_562 = arith.constant 1120 : i32
      %add3A_563 = vector.broadcast %add3A_562 : i32 to vector<16xi32>
      %add3A_564 = arith.addi %iota3A_561, %add3A_563 : vector<16xi32>
      %swap3A_565 = arith.constant 1120 : index
      %swap3A_566 = tpu.vector_load %arg5[%swap3A_565] {strides = array<i32>} : memref<2048xi32, #tpu.memory_space<vmem>>, vector<16xi32>,
      %swap3A_567 = vector.shape_cast %swap3A_566 : vector<16xi32> to vector<16xi32>
      %swap3A_568 = vector.shape_cast %add3A_564 : vector<16xi32> to vector<16xi32>
      tpu.vector_store %arg5[%swap3A_565], %swap3A_568 {strides = array<i32>} : memref<2048xi32, #tpu.memory_space<vmem>>, vector<16xi32>,
      %iota3A_569 = tpu.iota {dimensions = array<i32: 0>} : vector<16xi32>
      %add3A_570 = arith.constant 1136 : i32
      %add3A_571 = vector.broadcast %add3A_570 : i32 to vector<16xi32>
      %add3A_572 = arith.addi %iota3A_569, %add3A_571 : vector<16xi32>
      %swap3A_573 = arith.constant 1136 : index
      %swap3A_574 = tpu.vector_load %arg5[%swap3A_573] {strides = array<i32>} : memref<2048xi32, #tpu.memory_space<vmem>>, vector<16xi32>,
      %swap3A_575 = vector.shape_cast %swap3A_574 : vector<16xi32> to vector<16xi32>
      %swap3A_576 = vector.shape_cast %add3A_572 : vector<16xi32> to vector<16xi32>
      tpu.vector_store %arg5[%swap3A_573], %swap3A_576 {strides = array<i32>} : memref<2048xi32, #tpu.memory_space<vmem>>, vector<16xi32>,
      %iota3A_577 = tpu.iota {dimensions = array<i32: 0>} : vector<16xi32>
      %add3A_578 = arith.constant 1152 : i32
      %add3A_579 = vector.broadcast %add3A_578 : i32 to vector<16xi32>
      %add3A_580 = arith.addi %iota3A_577, %add3A_579 : vector<16xi32>
      %swap3A_581 = arith.constant 1152 : index
      %swap3A_582 = tpu.vector_load %arg5[%swap3A_581] {strides = array<i32>} : memref<2048xi32, #tpu.memory_space<vmem>>, vector<16xi32>,
      %swap3A_583 = vector.shape_cast %swap3A_582 : vector<16xi32> to vector<16xi32>
      %swap3A_584 = vector.shape_cast %add3A_580 : vector<16xi32> to vector<16xi32>
      tpu.vector_store %arg5[%swap3A_581], %swap3A_584 {strides = array<i32>} : memref<2048xi32, #tpu.memory_space<vmem>>, vector<16xi32>,
      %iota3A_585 = tpu.iota {dimensions = array<i32: 0>} : vector<16xi32>
      %add3A_586 = arith.constant 1168 : i32
      %add3A_587 = vector.broadcast %add3A_586 : i32 to vector<16xi32>
      %add3A_588 = arith.addi %iota3A_585, %add3A_587 : vector<16xi32>
      %swap3A_589 = arith.constant 1168 : index
      %swap3A_590 = tpu.vector_load %arg5[%swap3A_589] {strides = array<i32>} : memref<2048xi32, #tpu.memory_space<vmem>>, vector<16xi32>,
      %swap3A_591 = vector.shape_cast %swap3A_590 : vector<16xi32> to vector<16xi32>
      %swap3A_592 = vector.shape_cast %add3A_588 : vector<16xi32> to vector<16xi32>
      tpu.vector_store %arg5[%swap3A_589], %swap3A_592 {strides = array<i32>} : memref<2048xi32, #tpu.memory_space<vmem>>, vector<16xi32>,
      %iota3A_593 = tpu.iota {dimensions = array<i32: 0>} : vector<16xi32>
      %add3A_594 = arith.constant 1184 : i32
      %add3A_595 = vector.broadcast %add3A_594 : i32 to vector<16xi32>
      %add3A_596 = arith.addi %iota3A_593, %add3A_595 : vector<16xi32>
      %swap3A_597 = arith.constant 1184 : index
      %swap3A_598 = tpu.vector_load %arg5[%swap3A_597] {strides = array<i32>} : memref<2048xi32, #tpu.memory_space<vmem>>, vector<16xi32>,
      %swap3A_599 = vector.shape_cast %swap3A_598 : vector<16xi32> to vector<16xi32>
      %swap3A_600 = vector.shape_cast %add3A_596 : vector<16xi32> to vector<16xi32>
      tpu.vector_store %arg5[%swap3A_597], %swap3A_600 {strides = array<i32>} : memref<2048xi32, #tpu.memory_space<vmem>>, vector<16xi32>,
      %iota3A_601 = tpu.iota {dimensions = array<i32: 0>} : vector<16xi32>
      %add3A_602 = arith.constant 1200 : i32
      %add3A_603 = vector.broadcast %add3A_602 : i32 to vector<16xi32>
      %add3A_604 = arith.addi %iota3A_601, %add3A_603 : vector<16xi32>
      %swap3A_605 = arith.constant 1200 : index
      %swap3A_606 = tpu.vector_load %arg5[%swap3A_605] {strides = array<i32>} : memref<2048xi32, #tpu.memory_space<vmem>>, vector<16xi32>,
      %swap3A_607 = vector.shape_cast %swap3A_606 : vector<16xi32> to vector<16xi32>
      %swap3A_608 = vector.shape_cast %add3A_604 : vector<16xi32> to vector<16xi32>
      tpu.vector_store %arg5[%swap3A_605], %swap3A_608 {strides = array<i32>} : memref<2048xi32, #tpu.memory_space<vmem>>, vector<16xi32>,
      %iota3A_609 = tpu.iota {dimensions = array<i32: 0>} : vector<16xi32>
      %add3A_610 = arith.constant 1216 : i32
      %add3A_611 = vector.broadcast %add3A_610 : i32 to vector<16xi32>
      %add3A_612 = arith.addi %iota3A_609, %add3A_611 : vector<16xi32>
      %swap3A_613 = arith.constant 1216 : index
      %swap3A_614 = tpu.vector_load %arg5[%swap3A_613] {strides = array<i32>} : memref<2048xi32, #tpu.memory_space<vmem>>, vector<16xi32>,
      %swap3A_615 = vector.shape_cast %swap3A_614 : vector<16xi32> to vector<16xi32>
      %swap3A_616 = vector.shape_cast %add3A_612 : vector<16xi32> to vector<16xi32>
      tpu.vector_store %arg5[%swap3A_613], %swap3A_616 {strides = array<i32>} : memref<2048xi32, #tpu.memory_space<vmem>>, vector<16xi32>,
      %iota3A_617 = tpu.iota {dimensions = array<i32: 0>} : vector<16xi32>
      %add3A_618 = arith.constant 1232 : i32
      %add3A_619 = vector.broadcast %add3A_618 : i32 to vector<16xi32>
      %add3A_620 = arith.addi %iota3A_617, %add3A_619 : vector<16xi32>
      %swap3A_621 = arith.constant 1232 : index
      %swap3A_622 = tpu.vector_load %arg5[%swap3A_621] {strides = array<i32>} : memref<2048xi32, #tpu.memory_space<vmem>>, vector<16xi32>,
      %swap3A_623 = vector.shape_cast %swap3A_622 : vector<16xi32> to vector<16xi32>
      %swap3A_624 = vector.shape_cast %add3A_620 : vector<16xi32> to vector<16xi32>
      tpu.vector_store %arg5[%swap3A_621], %swap3A_624 {strides = array<i32>} : memref<2048xi32, #tpu.memory_space<vmem>>, vector<16xi32>,
      %iota3A_625 = tpu.iota {dimensions = array<i32: 0>} : vector<16xi32>
      %add3A_626 = arith.constant 1248 : i32
      %add3A_627 = vector.broadcast %add3A_626 : i32 to vector<16xi32>
      %add3A_628 = arith.addi %iota3A_625, %add3A_627 : vector<16xi32>
      %swap3A_629 = arith.constant 1248 : index
      %swap3A_630 = tpu.vector_load %arg5[%swap3A_629] {strides = array<i32>} : memref<2048xi32, #tpu.memory_space<vmem>>, vector<16xi32>,
      %swap3A_631 = vector.shape_cast %swap3A_630 : vector<16xi32> to vector<16xi32>
      %swap3A_632 = vector.shape_cast %add3A_628 : vector<16xi32> to vector<16xi32>
      tpu.vector_store %arg5[%swap3A_629], %swap3A_632 {strides = array<i32>} : memref<2048xi32, #tpu.memory_space<vmem>>, vector<16xi32>,
      %iota3A_633 = tpu.iota {dimensions = array<i32: 0>} : vector<16xi32>
      %add3A_634 = arith.constant 1264 : i32
      %add3A_635 = vector.broadcast %add3A_634 : i32 to vector<16xi32>
      %add3A_636 = arith.addi %iota3A_633, %add3A_635 : vector<16xi32>
      %swap3A_637 = arith.constant 1264 : index
      %swap3A_638 = tpu.vector_load %arg5[%swap3A_637] {strides = array<i32>} : memref<2048xi32, #tpu.memory_space<vmem>>, vector<16xi32>,
      %swap3A_639 = vector.shape_cast %swap3A_638 : vector<16xi32> to vector<16xi32>
      %swap3A_640 = vector.shape_cast %add3A_636 : vector<16xi32> to vector<16xi32>
      tpu.vector_store %arg5[%swap3A_637], %swap3A_640 {strides = array<i32>} : memref<2048xi32, #tpu.memory_space<vmem>>, vector<16xi32>,
      %iota3A_641 = tpu.iota {dimensions = array<i32: 0>} : vector<16xi32>
      %add3A_642 = arith.constant 1280 : i32
      %add3A_643 = vector.broadcast %add3A_642 : i32 to vector<16xi32>
      %add3A_644 = arith.addi %iota3A_641, %add3A_643 : vector<16xi32>
      %swap3A_645 = arith.constant 1280 : index
      %swap3A_646 = tpu.vector_load %arg5[%swap3A_645] {strides = array<i32>} : memref<2048xi32, #tpu.memory_space<vmem>>, vector<16xi32>,
      %swap3A_647 = vector.shape_cast %swap3A_646 : vector<16xi32> to vector<16xi32>
      %swap3A_648 = vector.shape_cast %add3A_644 : vector<16xi32> to vector<16xi32>
      tpu.vector_store %arg5[%swap3A_645], %swap3A_648 {strides = array<i32>} : memref<2048xi32, #tpu.memory_space<vmem>>, vector<16xi32>,
      %iota3A_649 = tpu.iota {dimensions = array<i32: 0>} : vector<16xi32>
      %add3A_650 = arith.constant 1296 : i32
      %add3A_651 = vector.broadcast %add3A_650 : i32 to vector<16xi32>
      %add3A_652 = arith.addi %iota3A_649, %add3A_651 : vector<16xi32>
      %swap3A_653 = arith.constant 1296 : index
      %swap3A_654 = tpu.vector_load %arg5[%swap3A_653] {strides = array<i32>} : memref<2048xi32, #tpu.memory_space<vmem>>, vector<16xi32>,
      %swap3A_655 = vector.shape_cast %swap3A_654 : vector<16xi32> to vector<16xi32>
      %swap3A_656 = vector.shape_cast %add3A_652 : vector<16xi32> to vector<16xi32>
      tpu.vector_store %arg5[%swap3A_653], %swap3A_656 {strides = array<i32>} : memref<2048xi32, #tpu.memory_space<vmem>>, vector<16xi32>,
      %iota3A_657 = tpu.iota {dimensions = array<i32: 0>} : vector<16xi32>
      %add3A_658 = arith.constant 1312 : i32
      %add3A_659 = vector.broadcast %add3A_658 : i32 to vector<16xi32>
      %add3A_660 = arith.addi %iota3A_657, %add3A_659 : vector<16xi32>
      %swap3A_661 = arith.constant 1312 : index
      %swap3A_662 = tpu.vector_load %arg5[%swap3A_661] {strides = array<i32>} : memref<2048xi32, #tpu.memory_space<vmem>>, vector<16xi32>,
      %swap3A_663 = vector.shape_cast %swap3A_662 : vector<16xi32> to vector<16xi32>
      %swap3A_664 = vector.shape_cast %add3A_660 : vector<16xi32> to vector<16xi32>
      tpu.vector_store %arg5[%swap3A_661], %swap3A_664 {strides = array<i32>} : memref<2048xi32, #tpu.memory_space<vmem>>, vector<16xi32>,
      %iota3A_665 = tpu.iota {dimensions = array<i32: 0>} : vector<16xi32>
      %add3A_666 = arith.constant 1328 : i32
      %add3A_667 = vector.broadcast %add3A_666 : i32 to vector<16xi32>
      %add3A_668 = arith.addi %iota3A_665, %add3A_667 : vector<16xi32>
      %swap3A_669 = arith.constant 1328 : index
      %swap3A_670 = tpu.vector_load %arg5[%swap3A_669] {strides = array<i32>} : memref<2048xi32, #tpu.memory_space<vmem>>, vector<16xi32>,
      %swap3A_671 = vector.shape_cast %swap3A_670 : vector<16xi32> to vector<16xi32>
      %swap3A_672 = vector.shape_cast %add3A_668 : vector<16xi32> to vector<16xi32>
      tpu.vector_store %arg5[%swap3A_669], %swap3A_672 {strides = array<i32>} : memref<2048xi32, #tpu.memory_space<vmem>>, vector<16xi32>,
      %iota3A_673 = tpu.iota {dimensions = array<i32: 0>} : vector<16xi32>
      %add3A_674 = arith.constant 1344 : i32
      %add3A_675 = vector.broadcast %add3A_674 : i32 to vector<16xi32>
      %add3A_676 = arith.addi %iota3A_673, %add3A_675 : vector<16xi32>
      %swap3A_677 = arith.constant 1344 : index
      %swap3A_678 = tpu.vector_load %arg5[%swap3A_677] {strides = array<i32>} : memref<2048xi32, #tpu.memory_space<vmem>>, vector<16xi32>,
      %swap3A_679 = vector.shape_cast %swap3A_678 : vector<16xi32> to vector<16xi32>
      %swap3A_680 = vector.shape_cast %add3A_676 : vector<16xi32> to vector<16xi32>
      tpu.vector_store %arg5[%swap3A_677], %swap3A_680 {strides = array<i32>} : memref<2048xi32, #tpu.memory_space<vmem>>, vector<16xi32>,
      %iota3A_681 = tpu.iota {dimensions = array<i32: 0>} : vector<16xi32>
      %add3A_682 = arith.constant 1360 : i32
      %add3A_683 = vector.broadcast %add3A_682 : i32 to vector<16xi32>
      %add3A_684 = arith.addi %iota3A_681, %add3A_683 : vector<16xi32>
      %swap3A_685 = arith.constant 1360 : index
      %swap3A_686 = tpu.vector_load %arg5[%swap3A_685] {strides = array<i32>} : memref<2048xi32, #tpu.memory_space<vmem>>, vector<16xi32>,
      %swap3A_687 = vector.shape_cast %swap3A_686 : vector<16xi32> to vector<16xi32>
      %swap3A_688 = vector.shape_cast %add3A_684 : vector<16xi32> to vector<16xi32>
      tpu.vector_store %arg5[%swap3A_685], %swap3A_688 {strides = array<i32>} : memref<2048xi32, #tpu.memory_space<vmem>>, vector<16xi32>,
      %iota3A_689 = tpu.iota {dimensions = array<i32: 0>} : vector<16xi32>
      %add3A_690 = arith.constant 1376 : i32
      %add3A_691 = vector.broadcast %add3A_690 : i32 to vector<16xi32>
      %add3A_692 = arith.addi %iota3A_689, %add3A_691 : vector<16xi32>
      %swap3A_693 = arith.constant 1376 : index
      %swap3A_694 = tpu.vector_load %arg5[%swap3A_693] {strides = array<i32>} : memref<2048xi32, #tpu.memory_space<vmem>>, vector<16xi32>,
      %swap3A_695 = vector.shape_cast %swap3A_694 : vector<16xi32> to vector<16xi32>
      %swap3A_696 = vector.shape_cast %add3A_692 : vector<16xi32> to vector<16xi32>
      tpu.vector_store %arg5[%swap3A_693], %swap3A_696 {strides = array<i32>} : memref<2048xi32, #tpu.memory_space<vmem>>, vector<16xi32>,
      %iota3A_697 = tpu.iota {dimensions = array<i32: 0>} : vector<16xi32>
      %add3A_698 = arith.constant 1392 : i32
      %add3A_699 = vector.broadcast %add3A_698 : i32 to vector<16xi32>
      %add3A_700 = arith.addi %iota3A_697, %add3A_699 : vector<16xi32>
      %swap3A_701 = arith.constant 1392 : index
      %swap3A_702 = tpu.vector_load %arg5[%swap3A_701] {strides = array<i32>} : memref<2048xi32, #tpu.memory_space<vmem>>, vector<16xi32>,
      %swap3A_703 = vector.shape_cast %swap3A_702 : vector<16xi32> to vector<16xi32>
      %swap3A_704 = vector.shape_cast %add3A_700 : vector<16xi32> to vector<16xi32>
      tpu.vector_store %arg5[%swap3A_701], %swap3A_704 {strides = array<i32>} : memref<2048xi32, #tpu.memory_space<vmem>>, vector<16xi32>,
      %iota3A_705 = tpu.iota {dimensions = array<i32: 0>} : vector<16xi32>
      %add3A_706 = arith.constant 1408 : i32
      %add3A_707 = vector.broadcast %add3A_706 : i32 to vector<16xi32>
      %add3A_708 = arith.addi %iota3A_705, %add3A_707 : vector<16xi32>
      %swap3A_709 = arith.constant 1408 : index
      %swap3A_710 = tpu.vector_load %arg5[%swap3A_709] {strides = array<i32>} : memref<2048xi32, #tpu.memory_space<vmem>>, vector<16xi32>,
      %swap3A_711 = vector.shape_cast %swap3A_710 : vector<16xi32> to vector<16xi32>
      %swap3A_712 = vector.shape_cast %add3A_708 : vector<16xi32> to vector<16xi32>
      tpu.vector_store %arg5[%swap3A_709], %swap3A_712 {strides = array<i32>} : memref<2048xi32, #tpu.memory_space<vmem>>, vector<16xi32>,
      %iota3A_713 = tpu.iota {dimensions = array<i32: 0>} : vector<16xi32>
      %add3A_714 = arith.constant 1424 : i32
      %add3A_715 = vector.broadcast %add3A_714 : i32 to vector<16xi32>
      %add3A_716 = arith.addi %iota3A_713, %add3A_715 : vector<16xi32>
      %swap3A_717 = arith.constant 1424 : index
      %swap3A_718 = tpu.vector_load %arg5[%swap3A_717] {strides = array<i32>} : memref<2048xi32, #tpu.memory_space<vmem>>, vector<16xi32>,
      %swap3A_719 = vector.shape_cast %swap3A_718 : vector<16xi32> to vector<16xi32>
      %swap3A_720 = vector.shape_cast %add3A_716 : vector<16xi32> to vector<16xi32>
      tpu.vector_store %arg5[%swap3A_717], %swap3A_720 {strides = array<i32>} : memref<2048xi32, #tpu.memory_space<vmem>>, vector<16xi32>,
      %iota3A_721 = tpu.iota {dimensions = array<i32: 0>} : vector<16xi32>
      %add3A_722 = arith.constant 1440 : i32
      %add3A_723 = vector.broadcast %add3A_722 : i32 to vector<16xi32>
      %add3A_724 = arith.addi %iota3A_721, %add3A_723 : vector<16xi32>
      %swap3A_725 = arith.constant 1440 : index
      %swap3A_726 = tpu.vector_load %arg5[%swap3A_725] {strides = array<i32>} : memref<2048xi32, #tpu.memory_space<vmem>>, vector<16xi32>,
      %swap3A_727 = vector.shape_cast %swap3A_726 : vector<16xi32> to vector<16xi32>
      %swap3A_728 = vector.shape_cast %add3A_724 : vector<16xi32> to vector<16xi32>
      tpu.vector_store %arg5[%swap3A_725], %swap3A_728 {strides = array<i32>} : memref<2048xi32, #tpu.memory_space<vmem>>, vector<16xi32>,
      %iota3A_729 = tpu.iota {dimensions = array<i32: 0>} : vector<16xi32>
      %add3A_730 = arith.constant 1456 : i32
      %add3A_731 = vector.broadcast %add3A_730 : i32 to vector<16xi32>
      %add3A_732 = arith.addi %iota3A_729, %add3A_731 : vector<16xi32>
      %swap3A_733 = arith.constant 1456 : index
      %swap3A_734 = tpu.vector_load %arg5[%swap3A_733] {strides = array<i32>} : memref<2048xi32, #tpu.memory_space<vmem>>, vector<16xi32>,
      %swap3A_735 = vector.shape_cast %swap3A_734 : vector<16xi32> to vector<16xi32>
      %swap3A_736 = vector.shape_cast %add3A_732 : vector<16xi32> to vector<16xi32>
      tpu.vector_store %arg5[%swap3A_733], %swap3A_736 {strides = array<i32>} : memref<2048xi32, #tpu.memory_space<vmem>>, vector<16xi32>,
      %iota3A_737 = tpu.iota {dimensions = array<i32: 0>} : vector<16xi32>
      %add3A_738 = arith.constant 1472 : i32
      %add3A_739 = vector.broadcast %add3A_738 : i32 to vector<16xi32>
      %add3A_740 = arith.addi %iota3A_737, %add3A_739 : vector<16xi32>
      %swap3A_741 = arith.constant 1472 : index
      %swap3A_742 = tpu.vector_load %arg5[%swap3A_741] {strides = array<i32>} : memref<2048xi32, #tpu.memory_space<vmem>>, vector<16xi32>,
      %swap3A_743 = vector.shape_cast %swap3A_742 : vector<16xi32> to vector<16xi32>
      %swap3A_744 = vector.shape_cast %add3A_740 : vector<16xi32> to vector<16xi32>
      tpu.vector_store %arg5[%swap3A_741], %swap3A_744 {strides = array<i32>} : memref<2048xi32, #tpu.memory_space<vmem>>, vector<16xi32>,
      %iota3A_745 = tpu.iota {dimensions = array<i32: 0>} : vector<16xi32>
      %add3A_746 = arith.constant 1488 : i32
      %add3A_747 = vector.broadcast %add3A_746 : i32 to vector<16xi32>
      %add3A_748 = arith.addi %iota3A_745, %add3A_747 : vector<16xi32>
      %swap3A_749 = arith.constant 1488 : index
      %swap3A_750 = tpu.vector_load %arg5[%swap3A_749] {strides = array<i32>} : memref<2048xi32, #tpu.memory_space<vmem>>, vector<16xi32>,
      %swap3A_751 = vector.shape_cast %swap3A_750 : vector<16xi32> to vector<16xi32>
      %swap3A_752 = vector.shape_cast %add3A_748 : vector<16xi32> to vector<16xi32>
      tpu.vector_store %arg5[%swap3A_749], %swap3A_752 {strides = array<i32>} : memref<2048xi32, #tpu.memory_space<vmem>>, vector<16xi32>,
      %iota3A_753 = tpu.iota {dimensions = array<i32: 0>} : vector<16xi32>
      %add3A_754 = arith.constant 1504 : i32
      %add3A_755 = vector.broadcast %add3A_754 : i32 to vector<16xi32>
      %add3A_756 = arith.addi %iota3A_753, %add3A_755 : vector<16xi32>
      %swap3A_757 = arith.constant 1504 : index
      %swap3A_758 = tpu.vector_load %arg5[%swap3A_757] {strides = array<i32>} : memref<2048xi32, #tpu.memory_space<vmem>>, vector<16xi32>,
      %swap3A_759 = vector.shape_cast %swap3A_758 : vector<16xi32> to vector<16xi32>
      %swap3A_760 = vector.shape_cast %add3A_756 : vector<16xi32> to vector<16xi32>
      tpu.vector_store %arg5[%swap3A_757], %swap3A_760 {strides = array<i32>} : memref<2048xi32, #tpu.memory_space<vmem>>, vector<16xi32>,
      %iota3A_761 = tpu.iota {dimensions = array<i32: 0>} : vector<16xi32>
      %add3A_762 = arith.constant 1520 : i32
      %add3A_763 = vector.broadcast %add3A_762 : i32 to vector<16xi32>
      %add3A_764 = arith.addi %iota3A_761, %add3A_763 : vector<16xi32>
      %swap3A_765 = arith.constant 1520 : index
      %swap3A_766 = tpu.vector_load %arg5[%swap3A_765] {strides = array<i32>} : memref<2048xi32, #tpu.memory_space<vmem>>, vector<16xi32>,
      %swap3A_767 = vector.shape_cast %swap3A_766 : vector<16xi32> to vector<16xi32>
      %swap3A_768 = vector.shape_cast %add3A_764 : vector<16xi32> to vector<16xi32>
      tpu.vector_store %arg5[%swap3A_765], %swap3A_768 {strides = array<i32>} : memref<2048xi32, #tpu.memory_space<vmem>>, vector<16xi32>,
      %iota3A_769 = tpu.iota {dimensions = array<i32: 0>} : vector<16xi32>
      %add3A_770 = arith.constant 1536 : i32
      %add3A_771 = vector.broadcast %add3A_770 : i32 to vector<16xi32>
      %add3A_772 = arith.addi %iota3A_769, %add3A_771 : vector<16xi32>
      %swap3A_773 = arith.constant 1536 : index
      %swap3A_774 = tpu.vector_load %arg5[%swap3A_773] {strides = array<i32>} : memref<2048xi32, #tpu.memory_space<vmem>>, vector<16xi32>,
      %swap3A_775 = vector.shape_cast %swap3A_774 : vector<16xi32> to vector<16xi32>
      %swap3A_776 = vector.shape_cast %add3A_772 : vector<16xi32> to vector<16xi32>
      tpu.vector_store %arg5[%swap3A_773], %swap3A_776 {strides = array<i32>} : memref<2048xi32, #tpu.memory_space<vmem>>, vector<16xi32>,
      %iota3A_777 = tpu.iota {dimensions = array<i32: 0>} : vector<16xi32>
      %add3A_778 = arith.constant 1552 : i32
      %add3A_779 = vector.broadcast %add3A_778 : i32 to vector<16xi32>
      %add3A_780 = arith.addi %iota3A_777, %add3A_779 : vector<16xi32>
      %swap3A_781 = arith.constant 1552 : index
      %swap3A_782 = tpu.vector_load %arg5[%swap3A_781] {strides = array<i32>} : memref<2048xi32, #tpu.memory_space<vmem>>, vector<16xi32>,
      %swap3A_783 = vector.shape_cast %swap3A_782 : vector<16xi32> to vector<16xi32>
      %swap3A_784 = vector.shape_cast %add3A_780 : vector<16xi32> to vector<16xi32>
      tpu.vector_store %arg5[%swap3A_781], %swap3A_784 {strides = array<i32>} : memref<2048xi32, #tpu.memory_space<vmem>>, vector<16xi32>,
      %iota3A_785 = tpu.iota {dimensions = array<i32: 0>} : vector<16xi32>
      %add3A_786 = arith.constant 1568 : i32
      %add3A_787 = vector.broadcast %add3A_786 : i32 to vector<16xi32>
      %add3A_788 = arith.addi %iota3A_785, %add3A_787 : vector<16xi32>
      %swap3A_789 = arith.constant 1568 : index
      %swap3A_790 = tpu.vector_load %arg5[%swap3A_789] {strides = array<i32>} : memref<2048xi32, #tpu.memory_space<vmem>>, vector<16xi32>,
      %swap3A_791 = vector.shape_cast %swap3A_790 : vector<16xi32> to vector<16xi32>
      %swap3A_792 = vector.shape_cast %add3A_788 : vector<16xi32> to vector<16xi32>
      tpu.vector_store %arg5[%swap3A_789], %swap3A_792 {strides = array<i32>} : memref<2048xi32, #tpu.memory_space<vmem>>, vector<16xi32>,
      %iota3A_793 = tpu.iota {dimensions = array<i32: 0>} : vector<16xi32>
      %add3A_794 = arith.constant 1584 : i32
      %add3A_795 = vector.broadcast %add3A_794 : i32 to vector<16xi32>
      %add3A_796 = arith.addi %iota3A_793, %add3A_795 : vector<16xi32>
      %swap3A_797 = arith.constant 1584 : index
      %swap3A_798 = tpu.vector_load %arg5[%swap3A_797] {strides = array<i32>} : memref<2048xi32, #tpu.memory_space<vmem>>, vector<16xi32>,
      %swap3A_799 = vector.shape_cast %swap3A_798 : vector<16xi32> to vector<16xi32>
      %swap3A_800 = vector.shape_cast %add3A_796 : vector<16xi32> to vector<16xi32>
      tpu.vector_store %arg5[%swap3A_797], %swap3A_800 {strides = array<i32>} : memref<2048xi32, #tpu.memory_space<vmem>>, vector<16xi32>,
      %iota3A_801 = tpu.iota {dimensions = array<i32: 0>} : vector<16xi32>
      %add3A_802 = arith.constant 1600 : i32
      %add3A_803 = vector.broadcast %add3A_802 : i32 to vector<16xi32>
      %add3A_804 = arith.addi %iota3A_801, %add3A_803 : vector<16xi32>
      %swap3A_805 = arith.constant 1600 : index
      %swap3A_806 = tpu.vector_load %arg5[%swap3A_805] {strides = array<i32>} : memref<2048xi32, #tpu.memory_space<vmem>>, vector<16xi32>,
      %swap3A_807 = vector.shape_cast %swap3A_806 : vector<16xi32> to vector<16xi32>
      %swap3A_808 = vector.shape_cast %add3A_804 : vector<16xi32> to vector<16xi32>
      tpu.vector_store %arg5[%swap3A_805], %swap3A_808 {strides = array<i32>} : memref<2048xi32, #tpu.memory_space<vmem>>, vector<16xi32>,
      %iota3A_809 = tpu.iota {dimensions = array<i32: 0>} : vector<16xi32>
      %add3A_810 = arith.constant 1616 : i32
      %add3A_811 = vector.broadcast %add3A_810 : i32 to vector<16xi32>
      %add3A_812 = arith.addi %iota3A_809, %add3A_811 : vector<16xi32>
      %swap3A_813 = arith.constant 1616 : index
      %swap3A_814 = tpu.vector_load %arg5[%swap3A_813] {strides = array<i32>} : memref<2048xi32, #tpu.memory_space<vmem>>, vector<16xi32>,
      %swap3A_815 = vector.shape_cast %swap3A_814 : vector<16xi32> to vector<16xi32>
      %swap3A_816 = vector.shape_cast %add3A_812 : vector<16xi32> to vector<16xi32>
      tpu.vector_store %arg5[%swap3A_813], %swap3A_816 {strides = array<i32>} : memref<2048xi32, #tpu.memory_space<vmem>>, vector<16xi32>,
      %iota3A_817 = tpu.iota {dimensions = array<i32: 0>} : vector<16xi32>
      %add3A_818 = arith.constant 1632 : i32
      %add3A_819 = vector.broadcast %add3A_818 : i32 to vector<16xi32>
      %add3A_820 = arith.addi %iota3A_817, %add3A_819 : vector<16xi32>
      %swap3A_821 = arith.constant 1632 : index
      %swap3A_822 = tpu.vector_load %arg5[%swap3A_821] {strides = array<i32>} : memref<2048xi32, #tpu.memory_space<vmem>>, vector<16xi32>,
      %swap3A_823 = vector.shape_cast %swap3A_822 : vector<16xi32> to vector<16xi32>
      %swap3A_824 = vector.shape_cast %add3A_820 : vector<16xi32> to vector<16xi32>
      tpu.vector_store %arg5[%swap3A_821], %swap3A_824 {strides = array<i32>} : memref<2048xi32, #tpu.memory_space<vmem>>, vector<16xi32>,
      %iota3A_825 = tpu.iota {dimensions = array<i32: 0>} : vector<16xi32>
      %add3A_826 = arith.constant 1648 : i32
      %add3A_827 = vector.broadcast %add3A_826 : i32 to vector<16xi32>
      %add3A_828 = arith.addi %iota3A_825, %add3A_827 : vector<16xi32>
      %swap3A_829 = arith.constant 1648 : index
      %swap3A_830 = tpu.vector_load %arg5[%swap3A_829] {strides = array<i32>} : memref<2048xi32, #tpu.memory_space<vmem>>, vector<16xi32>,
      %swap3A_831 = vector.shape_cast %swap3A_830 : vector<16xi32> to vector<16xi32>
      %swap3A_832 = vector.shape_cast %add3A_828 : vector<16xi32> to vector<16xi32>
      tpu.vector_store %arg5[%swap3A_829], %swap3A_832 {strides = array<i32>} : memref<2048xi32, #tpu.memory_space<vmem>>, vector<16xi32>,
      %iota3A_833 = tpu.iota {dimensions = array<i32: 0>} : vector<16xi32>
      %add3A_834 = arith.constant 1664 : i32
      %add3A_835 = vector.broadcast %add3A_834 : i32 to vector<16xi32>
      %add3A_836 = arith.addi %iota3A_833, %add3A_835 : vector<16xi32>
      %swap3A_837 = arith.constant 1664 : index
      %swap3A_838 = tpu.vector_load %arg5[%swap3A_837] {strides = array<i32>} : memref<2048xi32, #tpu.memory_space<vmem>>, vector<16xi32>,
      %swap3A_839 = vector.shape_cast %swap3A_838 : vector<16xi32> to vector<16xi32>
      %swap3A_840 = vector.shape_cast %add3A_836 : vector<16xi32> to vector<16xi32>
      tpu.vector_store %arg5[%swap3A_837], %swap3A_840 {strides = array<i32>} : memref<2048xi32, #tpu.memory_space<vmem>>, vector<16xi32>,
      %iota3A_841 = tpu.iota {dimensions = array<i32: 0>} : vector<16xi32>
      %add3A_842 = arith.constant 1680 : i32
      %add3A_843 = vector.broadcast %add3A_842 : i32 to vector<16xi32>
      %add3A_844 = arith.addi %iota3A_841, %add3A_843 : vector<16xi32>
      %swap3A_845 = arith.constant 1680 : index
      %swap3A_846 = tpu.vector_load %arg5[%swap3A_845] {strides = array<i32>} : memref<2048xi32, #tpu.memory_space<vmem>>, vector<16xi32>,
      %swap3A_847 = vector.shape_cast %swap3A_846 : vector<16xi32> to vector<16xi32>
      %swap3A_848 = vector.shape_cast %add3A_844 : vector<16xi32> to vector<16xi32>
      tpu.vector_store %arg5[%swap3A_845], %swap3A_848 {strides = array<i32>} : memref<2048xi32, #tpu.memory_space<vmem>>, vector<16xi32>,
      %iota3A_849 = tpu.iota {dimensions = array<i32: 0>} : vector<16xi32>
      %add3A_850 = arith.constant 1696 : i32
      %add3A_851 = vector.broadcast %add3A_850 : i32 to vector<16xi32>
      %add3A_852 = arith.addi %iota3A_849, %add3A_851 : vector<16xi32>
      %swap3A_853 = arith.constant 1696 : index
      %swap3A_854 = tpu.vector_load %arg5[%swap3A_853] {strides = array<i32>} : memref<2048xi32, #tpu.memory_space<vmem>>, vector<16xi32>,
      %swap3A_855 = vector.shape_cast %swap3A_854 : vector<16xi32> to vector<16xi32>
      %swap3A_856 = vector.shape_cast %add3A_852 : vector<16xi32> to vector<16xi32>
      tpu.vector_store %arg5[%swap3A_853], %swap3A_856 {strides = array<i32>} : memref<2048xi32, #tpu.memory_space<vmem>>, vector<16xi32>,
      %iota3A_857 = tpu.iota {dimensions = array<i32: 0>} : vector<16xi32>
      %add3A_858 = arith.constant 1712 : i32
      %add3A_859 = vector.broadcast %add3A_858 : i32 to vector<16xi32>
      %add3A_860 = arith.addi %iota3A_857, %add3A_859 : vector<16xi32>
      %swap3A_861 = arith.constant 1712 : index
      %swap3A_862 = tpu.vector_load %arg5[%swap3A_861] {strides = array<i32>} : memref<2048xi32, #tpu.memory_space<vmem>>, vector<16xi32>,
      %swap3A_863 = vector.shape_cast %swap3A_862 : vector<16xi32> to vector<16xi32>
      %swap3A_864 = vector.shape_cast %add3A_860 : vector<16xi32> to vector<16xi32>
      tpu.vector_store %arg5[%swap3A_861], %swap3A_864 {strides = array<i32>} : memref<2048xi32, #tpu.memory_space<vmem>>, vector<16xi32>,
      %iota3A_865 = tpu.iota {dimensions = array<i32: 0>} : vector<16xi32>
      %add3A_866 = arith.constant 1728 : i32
      %add3A_867 = vector.broadcast %add3A_866 : i32 to vector<16xi32>
      %add3A_868 = arith.addi %iota3A_865, %add3A_867 : vector<16xi32>
      %swap3A_869 = arith.constant 1728 : index
      %swap3A_870 = tpu.vector_load %arg5[%swap3A_869] {strides = array<i32>} : memref<2048xi32, #tpu.memory_space<vmem>>, vector<16xi32>,
      %swap3A_871 = vector.shape_cast %swap3A_870 : vector<16xi32> to vector<16xi32>
      %swap3A_872 = vector.shape_cast %add3A_868 : vector<16xi32> to vector<16xi32>
      tpu.vector_store %arg5[%swap3A_869], %swap3A_872 {strides = array<i32>} : memref<2048xi32, #tpu.memory_space<vmem>>, vector<16xi32>,
      %iota3A_873 = tpu.iota {dimensions = array<i32: 0>} : vector<16xi32>
      %add3A_874 = arith.constant 1744 : i32
      %add3A_875 = vector.broadcast %add3A_874 : i32 to vector<16xi32>
      %add3A_876 = arith.addi %iota3A_873, %add3A_875 : vector<16xi32>
      %swap3A_877 = arith.constant 1744 : index
      %swap3A_878 = tpu.vector_load %arg5[%swap3A_877] {strides = array<i32>} : memref<2048xi32, #tpu.memory_space<vmem>>, vector<16xi32>,
      %swap3A_879 = vector.shape_cast %swap3A_878 : vector<16xi32> to vector<16xi32>
      %swap3A_880 = vector.shape_cast %add3A_876 : vector<16xi32> to vector<16xi32>
      tpu.vector_store %arg5[%swap3A_877], %swap3A_880 {strides = array<i32>} : memref<2048xi32, #tpu.memory_space<vmem>>, vector<16xi32>,
      %iota3A_881 = tpu.iota {dimensions = array<i32: 0>} : vector<16xi32>
      %add3A_882 = arith.constant 1760 : i32
      %add3A_883 = vector.broadcast %add3A_882 : i32 to vector<16xi32>
      %add3A_884 = arith.addi %iota3A_881, %add3A_883 : vector<16xi32>
      %swap3A_885 = arith.constant 1760 : index
      %swap3A_886 = tpu.vector_load %arg5[%swap3A_885] {strides = array<i32>} : memref<2048xi32, #tpu.memory_space<vmem>>, vector<16xi32>,
      %swap3A_887 = vector.shape_cast %swap3A_886 : vector<16xi32> to vector<16xi32>
      %swap3A_888 = vector.shape_cast %add3A_884 : vector<16xi32> to vector<16xi32>
      tpu.vector_store %arg5[%swap3A_885], %swap3A_888 {strides = array<i32>} : memref<2048xi32, #tpu.memory_space<vmem>>, vector<16xi32>,
      %iota3A_889 = tpu.iota {dimensions = array<i32: 0>} : vector<16xi32>
      %add3A_890 = arith.constant 1776 : i32
      %add3A_891 = vector.broadcast %add3A_890 : i32 to vector<16xi32>
      %add3A_892 = arith.addi %iota3A_889, %add3A_891 : vector<16xi32>
      %swap3A_893 = arith.constant 1776 : index
      %swap3A_894 = tpu.vector_load %arg5[%swap3A_893] {strides = array<i32>} : memref<2048xi32, #tpu.memory_space<vmem>>, vector<16xi32>,
      %swap3A_895 = vector.shape_cast %swap3A_894 : vector<16xi32> to vector<16xi32>
      %swap3A_896 = vector.shape_cast %add3A_892 : vector<16xi32> to vector<16xi32>
      tpu.vector_store %arg5[%swap3A_893], %swap3A_896 {strides = array<i32>} : memref<2048xi32, #tpu.memory_space<vmem>>, vector<16xi32>,
      %iota3A_897 = tpu.iota {dimensions = array<i32: 0>} : vector<16xi32>
      %add3A_898 = arith.constant 1792 : i32
      %add3A_899 = vector.broadcast %add3A_898 : i32 to vector<16xi32>
      %add3A_900 = arith.addi %iota3A_897, %add3A_899 : vector<16xi32>
      %swap3A_901 = arith.constant 1792 : index
      %swap3A_902 = tpu.vector_load %arg5[%swap3A_901] {strides = array<i32>} : memref<2048xi32, #tpu.memory_space<vmem>>, vector<16xi32>,
      %swap3A_903 = vector.shape_cast %swap3A_902 : vector<16xi32> to vector<16xi32>
      %swap3A_904 = vector.shape_cast %add3A_900 : vector<16xi32> to vector<16xi32>
      tpu.vector_store %arg5[%swap3A_901], %swap3A_904 {strides = array<i32>} : memref<2048xi32, #tpu.memory_space<vmem>>, vector<16xi32>,
      %iota3A_905 = tpu.iota {dimensions = array<i32: 0>} : vector<16xi32>
      %add3A_906 = arith.constant 1808 : i32
      %add3A_907 = vector.broadcast %add3A_906 : i32 to vector<16xi32>
      %add3A_908 = arith.addi %iota3A_905, %add3A_907 : vector<16xi32>
      %swap3A_909 = arith.constant 1808 : index
      %swap3A_910 = tpu.vector_load %arg5[%swap3A_909] {strides = array<i32>} : memref<2048xi32, #tpu.memory_space<vmem>>, vector<16xi32>,
      %swap3A_911 = vector.shape_cast %swap3A_910 : vector<16xi32> to vector<16xi32>
      %swap3A_912 = vector.shape_cast %add3A_908 : vector<16xi32> to vector<16xi32>
      tpu.vector_store %arg5[%swap3A_909], %swap3A_912 {strides = array<i32>} : memref<2048xi32, #tpu.memory_space<vmem>>, vector<16xi32>,
      %iota3A_913 = tpu.iota {dimensions = array<i32: 0>} : vector<16xi32>
      %add3A_914 = arith.constant 1824 : i32
      %add3A_915 = vector.broadcast %add3A_914 : i32 to vector<16xi32>
      %add3A_916 = arith.addi %iota3A_913, %add3A_915 : vector<16xi32>
      %swap3A_917 = arith.constant 1824 : index
      %swap3A_918 = tpu.vector_load %arg5[%swap3A_917] {strides = array<i32>} : memref<2048xi32, #tpu.memory_space<vmem>>, vector<16xi32>,
      %swap3A_919 = vector.shape_cast %swap3A_918 : vector<16xi32> to vector<16xi32>
      %swap3A_920 = vector.shape_cast %add3A_916 : vector<16xi32> to vector<16xi32>
      tpu.vector_store %arg5[%swap3A_917], %swap3A_920 {strides = array<i32>} : memref<2048xi32, #tpu.memory_space<vmem>>, vector<16xi32>,
      %iota3A_921 = tpu.iota {dimensions = array<i32: 0>} : vector<16xi32>
      %add3A_922 = arith.constant 1840 : i32
      %add3A_923 = vector.broadcast %add3A_922 : i32 to vector<16xi32>
      %add3A_924 = arith.addi %iota3A_921, %add3A_923 : vector<16xi32>
      %swap3A_925 = arith.constant 1840 : index
      %swap3A_926 = tpu.vector_load %arg5[%swap3A_925] {strides = array<i32>} : memref<2048xi32, #tpu.memory_space<vmem>>, vector<16xi32>,
      %swap3A_927 = vector.shape_cast %swap3A_926 : vector<16xi32> to vector<16xi32>
      %swap3A_928 = vector.shape_cast %add3A_924 : vector<16xi32> to vector<16xi32>
      tpu.vector_store %arg5[%swap3A_925], %swap3A_928 {strides = array<i32>} : memref<2048xi32, #tpu.memory_space<vmem>>, vector<16xi32>,
      %iota3A_929 = tpu.iota {dimensions = array<i32: 0>} : vector<16xi32>
      %add3A_930 = arith.constant 1856 : i32
      %add3A_931 = vector.broadcast %add3A_930 : i32 to vector<16xi32>
      %add3A_932 = arith.addi %iota3A_929, %add3A_931 : vector<16xi32>
      %swap3A_933 = arith.constant 1856 : index
      %swap3A_934 = tpu.vector_load %arg5[%swap3A_933] {strides = array<i32>} : memref<2048xi32, #tpu.memory_space<vmem>>, vector<16xi32>,
      %swap3A_935 = vector.shape_cast %swap3A_934 : vector<16xi32> to vector<16xi32>
      %swap3A_936 = vector.shape_cast %add3A_932 : vector<16xi32> to vector<16xi32>
      tpu.vector_store %arg5[%swap3A_933], %swap3A_936 {strides = array<i32>} : memref<2048xi32, #tpu.memory_space<vmem>>, vector<16xi32>,
      %iota3A_937 = tpu.iota {dimensions = array<i32: 0>} : vector<16xi32>
      %add3A_938 = arith.constant 1872 : i32
      %add3A_939 = vector.broadcast %add3A_938 : i32 to vector<16xi32>
      %add3A_940 = arith.addi %iota3A_937, %add3A_939 : vector<16xi32>
      %swap3A_941 = arith.constant 1872 : index
      %swap3A_942 = tpu.vector_load %arg5[%swap3A_941] {strides = array<i32>} : memref<2048xi32, #tpu.memory_space<vmem>>, vector<16xi32>,
      %swap3A_943 = vector.shape_cast %swap3A_942 : vector<16xi32> to vector<16xi32>
      %swap3A_944 = vector.shape_cast %add3A_940 : vector<16xi32> to vector<16xi32>
      tpu.vector_store %arg5[%swap3A_941], %swap3A_944 {strides = array<i32>} : memref<2048xi32, #tpu.memory_space<vmem>>, vector<16xi32>,
      %iota3A_945 = tpu.iota {dimensions = array<i32: 0>} : vector<16xi32>
      %add3A_946 = arith.constant 1888 : i32
      %add3A_947 = vector.broadcast %add3A_946 : i32 to vector<16xi32>
      %add3A_948 = arith.addi %iota3A_945, %add3A_947 : vector<16xi32>
      %swap3A_949 = arith.constant 1888 : index
      %swap3A_950 = tpu.vector_load %arg5[%swap3A_949] {strides = array<i32>} : memref<2048xi32, #tpu.memory_space<vmem>>, vector<16xi32>,
      %swap3A_951 = vector.shape_cast %swap3A_950 : vector<16xi32> to vector<16xi32>
      %swap3A_952 = vector.shape_cast %add3A_948 : vector<16xi32> to vector<16xi32>
      tpu.vector_store %arg5[%swap3A_949], %swap3A_952 {strides = array<i32>} : memref<2048xi32, #tpu.memory_space<vmem>>, vector<16xi32>,
      %iota3A_953 = tpu.iota {dimensions = array<i32: 0>} : vector<16xi32>
      %add3A_954 = arith.constant 1904 : i32
      %add3A_955 = vector.broadcast %add3A_954 : i32 to vector<16xi32>
      %add3A_956 = arith.addi %iota3A_953, %add3A_955 : vector<16xi32>
      %swap3A_957 = arith.constant 1904 : index
      %swap3A_958 = tpu.vector_load %arg5[%swap3A_957] {strides = array<i32>} : memref<2048xi32, #tpu.memory_space<vmem>>, vector<16xi32>,
      %swap3A_959 = vector.shape_cast %swap3A_958 : vector<16xi32> to vector<16xi32>
      %swap3A_960 = vector.shape_cast %add3A_956 : vector<16xi32> to vector<16xi32>
      tpu.vector_store %arg5[%swap3A_957], %swap3A_960 {strides = array<i32>} : memref<2048xi32, #tpu.memory_space<vmem>>, vector<16xi32>,
      %iota3A_961 = tpu.iota {dimensions = array<i32: 0>} : vector<16xi32>
      %add3A_962 = arith.constant 1920 : i32
      %add3A_963 = vector.broadcast %add3A_962 : i32 to vector<16xi32>
      %add3A_964 = arith.addi %iota3A_961, %add3A_963 : vector<16xi32>
      %swap3A_965 = arith.constant 1920 : index
      %swap3A_966 = tpu.vector_load %arg5[%swap3A_965] {strides = array<i32>} : memref<2048xi32, #tpu.memory_space<vmem>>, vector<16xi32>,
      %swap3A_967 = vector.shape_cast %swap3A_966 : vector<16xi32> to vector<16xi32>
      %swap3A_968 = vector.shape_cast %add3A_964 : vector<16xi32> to vector<16xi32>
      tpu.vector_store %arg5[%swap3A_965], %swap3A_968 {strides = array<i32>} : memref<2048xi32, #tpu.memory_space<vmem>>, vector<16xi32>,
      %iota3A_969 = tpu.iota {dimensions = array<i32: 0>} : vector<16xi32>
      %add3A_970 = arith.constant 1936 : i32
      %add3A_971 = vector.broadcast %add3A_970 : i32 to vector<16xi32>
      %add3A_972 = arith.addi %iota3A_969, %add3A_971 : vector<16xi32>
      %swap3A_973 = arith.constant 1936 : index
      %swap3A_974 = tpu.vector_load %arg5[%swap3A_973] {strides = array<i32>} : memref<2048xi32, #tpu.memory_space<vmem>>, vector<16xi32>,
      %swap3A_975 = vector.shape_cast %swap3A_974 : vector<16xi32> to vector<16xi32>
      %swap3A_976 = vector.shape_cast %add3A_972 : vector<16xi32> to vector<16xi32>
      tpu.vector_store %arg5[%swap3A_973], %swap3A_976 {strides = array<i32>} : memref<2048xi32, #tpu.memory_space<vmem>>, vector<16xi32>,
      %iota3A_977 = tpu.iota {dimensions = array<i32: 0>} : vector<16xi32>
      %add3A_978 = arith.constant 1952 : i32
      %add3A_979 = vector.broadcast %add3A_978 : i32 to vector<16xi32>
      %add3A_980 = arith.addi %iota3A_977, %add3A_979 : vector<16xi32>
      %swap3A_981 = arith.constant 1952 : index
      %swap3A_982 = tpu.vector_load %arg5[%swap3A_981] {strides = array<i32>} : memref<2048xi32, #tpu.memory_space<vmem>>, vector<16xi32>,
      %swap3A_983 = vector.shape_cast %swap3A_982 : vector<16xi32> to vector<16xi32>
      %swap3A_984 = vector.shape_cast %add3A_980 : vector<16xi32> to vector<16xi32>
      tpu.vector_store %arg5[%swap3A_981], %swap3A_984 {strides = array<i32>} : memref<2048xi32, #tpu.memory_space<vmem>>, vector<16xi32>,
      %iota3A_985 = tpu.iota {dimensions = array<i32: 0>} : vector<16xi32>
      %add3A_986 = arith.constant 1968 : i32
      %add3A_987 = vector.broadcast %add3A_986 : i32 to vector<16xi32>
      %add3A_988 = arith.addi %iota3A_985, %add3A_987 : vector<16xi32>
      %swap3A_989 = arith.constant 1968 : index
      %swap3A_990 = tpu.vector_load %arg5[%swap3A_989] {strides = array<i32>} : memref<2048xi32, #tpu.memory_space<vmem>>, vector<16xi32>,
      %swap3A_991 = vector.shape_cast %swap3A_990 : vector<16xi32> to vector<16xi32>
      %swap3A_992 = vector.shape_cast %add3A_988 : vector<16xi32> to vector<16xi32>
      tpu.vector_store %arg5[%swap3A_989], %swap3A_992 {strides = array<i32>} : memref<2048xi32, #tpu.memory_space<vmem>>, vector<16xi32>,
      %iota3A_993 = tpu.iota {dimensions = array<i32: 0>} : vector<16xi32>
      %add3A_994 = arith.constant 1984 : i32
      %add3A_995 = vector.broadcast %add3A_994 : i32 to vector<16xi32>
      %add3A_996 = arith.addi %iota3A_993, %add3A_995 : vector<16xi32>
      %swap3A_997 = arith.constant 1984 : index
      %swap3A_998 = tpu.vector_load %arg5[%swap3A_997] {strides = array<i32>} : memref<2048xi32, #tpu.memory_space<vmem>>, vector<16xi32>,
      %swap3A_999 = vector.shape_cast %swap3A_998 : vector<16xi32> to vector<16xi32>
      %swap3A_1000 = vector.shape_cast %add3A_996 : vector<16xi32> to vector<16xi32>
      tpu.vector_store %arg5[%swap3A_997], %swap3A_1000 {strides = array<i32>} : memref<2048xi32, #tpu.memory_space<vmem>>, vector<16xi32>,
      %iota3A_1001 = tpu.iota {dimensions = array<i32: 0>} : vector<16xi32>
      %add3A_1002 = arith.constant 2000 : i32
      %add3A_1003 = vector.broadcast %add3A_1002 : i32 to vector<16xi32>
      %add3A_1004 = arith.addi %iota3A_1001, %add3A_1003 : vector<16xi32>
      %swap3A_1005 = arith.constant 2000 : index
      %swap3A_1006 = tpu.vector_load %arg5[%swap3A_1005] {strides = array<i32>} : memref<2048xi32, #tpu.memory_space<vmem>>, vector<16xi32>,
      %swap3A_1007 = vector.shape_cast %swap3A_1006 : vector<16xi32> to vector<16xi32>
      %swap3A_1008 = vector.shape_cast %add3A_1004 : vector<16xi32> to vector<16xi32>
      tpu.vector_store %arg5[%swap3A_1005], %swap3A_1008 {strides = array<i32>} : memref<2048xi32, #tpu.memory_space<vmem>>, vector<16xi32>,
      %iota3A_1009 = tpu.iota {dimensions = array<i32: 0>} : vector<16xi32>
      %add3A_1010 = arith.constant 2016 : i32
      %add3A_1011 = vector.broadcast %add3A_1010 : i32 to vector<16xi32>
      %add3A_1012 = arith.addi %iota3A_1009, %add3A_1011 : vector<16xi32>
      %swap3A_1013 = arith.constant 2016 : index
      %swap3A_1014 = tpu.vector_load %arg5[%swap3A_1013] {strides = array<i32>} : memref<2048xi32, #tpu.memory_space<vmem>>, vector<16xi32>,
      %swap3A_1015 = vector.shape_cast %swap3A_1014 : vector<16xi32> to vector<16xi32>
      %swap3A_1016 = vector.shape_cast %add3A_1012 : vector<16xi32> to vector<16xi32>
      tpu.vector_store %arg5[%swap3A_1013], %swap3A_1016 {strides = array<i32>} : memref<2048xi32, #tpu.memory_space<vmem>>, vector<16xi32>,
      %iota3A_1017 = tpu.iota {dimensions = array<i32: 0>} : vector<16xi32>
      %add3A_1018 = arith.constant 2032 : i32
      %add3A_1019 = vector.broadcast %add3A_1018 : i32 to vector<16xi32>
      %add3A_1020 = arith.addi %iota3A_1017, %add3A_1019 : vector<16xi32>
      %swap3A_1021 = arith.constant 2032 : index
      %swap3A_1022 = tpu.vector_load %arg5[%swap3A_1021] {strides = array<i32>} : memref<2048xi32, #tpu.memory_space<vmem>>, vector<16xi32>,
      %swap3A_1023 = vector.shape_cast %swap3A_1022 : vector<16xi32> to vector<16xi32>
      %swap3A_1024 = vector.shape_cast %add3A_1020 : vector<16xi32> to vector<16xi32>
      tpu.vector_store %arg5[%swap3A_1021], %swap3A_1024 {strides = array<i32>} : memref<2048xi32, #tpu.memory_space<vmem>>, vector<16xi32>,
      %dma_start3A = arith.constant 0 : i32
      %dma_start3A_1025 = tpu.memref_slice %arg3[%dma_start3A] : memref<2048xi32, #tpu.memory_space<hbm>> -> memref<2048xi32, #tpu.memory_space<hbm>>
      tpu.enqueue_indirect_dma source(%arg5 : memref<2048xi32, #tpu.memory_space<vmem>>) target(%dma_start3A_1025 : memref<2048xi32, #tpu.memory_space<hbm>>) offsets(%arg4 : memref<2048xi32, #tpu.memory_space<vmem>>) semaphore(%arg6 : memref<!tpu.dma_semaphore, #tpu.memory_space<semaphore_mem>>)
      %dma_wait3A = arith.constant 0 : i32
      %dma_wait3A_1026 = tpu.memref_slice %arg3[%dma_wait3A] : memref<2048xi32, #tpu.memory_space<hbm>> -> memref<2048xi32, #tpu.memory_space<hbm>>
      tpu.wait_indirect_dma semaphore(%arg6 : memref<!tpu.dma_semaphore, #tpu.memory_space<semaphore_mem>>) src(%arg5 : memref<2048xi32, #tpu.memory_space<vmem>>) dst(%dma_wait3A_1026 : memref<2048xi32, #tpu.memory_space<hbm>>)
    } else {
    }
    return
  }
}

module attributes {stable_mosaic.version = 14 : i64} {
  func.func @_hard_body(%arg0: i32, %arg1: memref<1x2048xi32, #tpu.memory_space<vmem>>, %arg2: memref<256x2048xf32, #tpu.memory_space<vmem>>) attributes {dimension_semantics = [#tpu.dimension_semantics<arbitrary>], iteration_bounds = array<i64: 8>, scalar_prefetch = 0 : i64, scratch_operands = 0 : i64, tpu.core_type = #tpu.core_type<tc>, window_params = [{pipeline_mode = #tpu.pipeline_mode<synchronous>, transform_indices = @transform_0, window_bounds = array<i64: 1, 2048>}, {transform_indices = @transform_1, window_bounds = array<i64: 256, 2048>}]} {
    %mul3A = arith.constant 256 : i32
    %mul3A_0 = arith.muli %arg0, %mul3A : i32
    %get3A = arith.constant 0 : index
    %get3A_1 = arith.constant 0 : index
    %get3A_2 = vector.load %arg1[%get3A, %get3A_1] : memref<1x2048xi32, #tpu.memory_space<vmem>>, vector<1x2048xi32>
    %iota3A = tpu.iota {dimensions = array<i32: 0>} : vector<256x2048xi32>
    %add3A = vector.broadcast %mul3A_0 : i32 to vector<256x2048xi32>
    %add3A_3 = arith.addi %add3A, %iota3A : vector<256x2048xi32>
    %eq3A = vector.broadcast %get3A_2 : vector<1x2048xi32> to vector<256x2048xi32>
    %eq3A_4 = arith.cmpi eq, %eq3A, %add3A_3 : vector<256x2048xi32>
    %convert_element_type3A = arith.extui %eq3A_4 : vector<256x2048xi1> to vector<256x2048xi32>
    %convert_element_type3A_5 = arith.sitofp %convert_element_type3A : vector<256x2048xi32> to vector<256x2048xf32>
    %swap3A = arith.constant 0 : index
    %swap3A_6 = arith.constant 0 : index
    %swap3A_7 = vector.load %arg2[%swap3A, %swap3A_6] : memref<256x2048xf32, #tpu.memory_space<vmem>>, vector<256x2048xf32>
    tpu.vector_store %arg2[%swap3A, %swap3A_6], %convert_element_type3A_5 {strides = array<i32>} : memref<256x2048xf32, #tpu.memory_space<vmem>>, vector<256x2048xf32>,
    return
  }
  func.func @transform_0(%arg0: i32) -> (i32, i32) {
    %c0_i32 = arith.constant 0 : i32
    %c0_i32_0 = arith.constant 0 : i32
    %c0_i32_1 = arith.constant 0 : i32
    return %c0_i32, %c0_i32_0 : i32, i32
  }
  func.func @transform_1(%arg0: i32) -> (i32, i32) {
    %c0_i32 = arith.constant 0 : i32
    %c0_i32_0 = arith.constant 0 : i32
    return %arg0, %c0_i32 : i32, i32
  }
}

module attributes {stable_mosaic.version = 14 : i64} {
  func.func @_assign_body(%arg0: memref<2048x768xf32, #tpu.memory_space<vmem>>, %arg1: memref<64x768xf32, #tpu.memory_space<vmem>>, %arg2: memref<1x2048xi32, #tpu.memory_space<vmem>>) attributes {dimension_semantics = [], scalar_prefetch = 0 : i64, scratch_operands = 0 : i64, tpu.core_type = #tpu.core_type<tc>} {
    %get3A = arith.constant 0 : index
    %get3A_0 = arith.constant 0 : index
    %get3A_1 = vector.load %arg1[%get3A, %get3A_0] : memref<64x768xf32, #tpu.memory_space<vmem>>, vector<64x768xf32>
    %get3A_2 = arith.constant 0 : index
    %get3A_3 = arith.constant 0 : index
    %get3A_4 = vector.load %arg0[%get3A_2, %get3A_3] : memref<2048x768xf32, #tpu.memory_space<vmem>>, vector<2048x768xf32>
    %dot_general3A = arith.constant dense<0.000000e+00> : vector<64x2048xf32>
    %dot_general3A_5 = tpu.matmul %get3A_1, %get3A_4, %dot_general3A {dimension_numbers = #tpu.dot_dimension_numbers<[1], [1], [0], [0], [0, 0, 1, 0], [], []>, transpose_lhs_hint = false} : vector<64x768xf32>, vector<2048x768xf32>, vector<64x2048xf32> -> vector<64x2048xf32>
    %iota3A = tpu.iota {dimensions = array<i32: 0>} : vector<64x2048xi32>
    %iota3A_6 = tpu.iota {dimensions = array<i32: 1>} : vector<64x2048xi32>
    %broadcast_in_dim3A = arith.constant -1 : i32
    %broadcast_in_dim3A_7 = vector.broadcast %broadcast_in_dim3A : i32 to vector<1x2048xi32>
    %broadcast_in_dim3A_8 = arith.constant 0 : i32
    %broadcast_in_dim3A_9 = vector.broadcast %broadcast_in_dim3A_8 : i32 to vector<64x1xi32>
    %while3A:2 = scf.while (%while3A_295 = %broadcast_in_dim3A_7, %while3A_296 = %broadcast_in_dim3A_9) : (vector<1x2048xi32>, vector<64x1xi32>) -> (vector<1x2048xi32>, vector<64x1xi32>) {
      %reduce_sum3A_297 = vector.shape_cast %while3A_296 : vector<64x1xi32> to vector<1x64x1xi32>
      %reduce_sum3A_298 = arith.constant dense<0> : vector<1xi32>
      %reduce_sum3A_299 = vector.multi_reduction <add>, %reduce_sum3A_297, %reduce_sum3A_298 [1, 2] : vector<1x64x1xi32> to vector<1xi32>
      %reduce_sum3A_300 = vector.shape_cast %reduce_sum3A_299 : vector<1xi32> to vector<1x1x1xi32>
      %reduce_sum3A_301 = vector.extract %reduce_sum3A_300[0, 0, 0] : i32 from vector<1x1x1xi32>
      %sub3A_302 = arith.constant 2048 : i32
      %sub3A_303 = arith.subi %sub3A_302, %reduce_sum3A_301 : i32
      %gt3A = arith.constant 512 : i32
      %gt3A_304 = arith.cmpi sgt, %sub3A_303, %gt3A : i32
      scf.condition(%gt3A_304) %while3A_295, %while3A_296 : vector<1x2048xi32>, vector<64x1xi32>
    } do {
    ^bb0(%while3A_295: vector<1x2048xi32>, %while3A_296: vector<64x1xi32>):
      %lt3A_297 = arith.constant 0 : i32
      %lt3A_298 = vector.broadcast %lt3A_297 : i32 to vector<1x2048xi32>
      %lt3A_299 = arith.cmpi slt, %while3A_295, %lt3A_298 : vector<1x2048xi32>
      %lt3A_300 = arith.constant 32 : i32
      %lt3A_301 = vector.broadcast %lt3A_300 : i32 to vector<64x1xi32>
      %lt3A_302 = arith.cmpi slt, %while3A_296, %lt3A_301 : vector<64x1xi32>
      %and3A_303 = vector.broadcast %lt3A_299 : vector<1x2048xi1> to vector<64x2048xi1>
      %and3A_304 = vector.broadcast %lt3A_302 : vector<64x1xi1> to vector<64x2048xi1>
      %and3A_305 = arith.andi %and3A_303, %and3A_304 : vector<64x2048xi1>
      %jit3A_306 = arith.constant 0xFF800000 : f32
      %broadcast_in_dim3A_307 = vector.broadcast %jit3A_306 : f32 to vector<64x2048xf32>
      %select_n3A_308 = arith.select %and3A_305, %dot_general3A_5, %broadcast_in_dim3A_307 : vector<64x2048xi1>, vector<64x2048xf32>
      %reduce_max3A = arith.constant dense<0xFF800000> : vector<2048xf32>
      %reduce_max3A_309 = vector.multi_reduction <maximumf>, %select_n3A_308, %reduce_max3A [0] : vector<64x2048xf32> to vector<2048xf32>
      %broadcast_in_dim3A_310 = vector.shape_cast %reduce_max3A_309 : vector<2048xf32> to vector<1x2048xf32>
      %eq3A_311 = vector.broadcast %broadcast_in_dim3A_310 : vector<1x2048xf32> to vector<64x2048xf32>
      %eq3A_312 = arith.cmpf oeq, %select_n3A_308, %eq3A_311 : vector<64x2048xf32>
      %and3A_313 = arith.andi %and3A_305, %eq3A_312 : vector<64x2048xi1>
      %jit3A_314 = arith.constant 64 : i32
      %broadcast_in_dim3A_315 = vector.broadcast %jit3A_314 : i32 to vector<64x2048xi32>
      %select_n3A_316 = arith.select %and3A_313, %iota3A, %broadcast_in_dim3A_315 : vector<64x2048xi1>, vector<64x2048xi32>
      %reduce_min3A = arith.constant dense<2147483647> : vector<2048xi32>
      %reduce_min3A_317 = vector.multi_reduction <minsi>, %select_n3A_316, %reduce_min3A [0] : vector<64x2048xi32> to vector<2048xi32>
      %broadcast_in_dim3A_318 = vector.shape_cast %reduce_min3A_317 : vector<2048xi32> to vector<1x2048xi32>
      %eq3A_319 = vector.broadcast %broadcast_in_dim3A_318 : vector<1x2048xi32> to vector<64x2048xi32>
      %eq3A_320 = arith.cmpi eq, %iota3A, %eq3A_319 : vector<64x2048xi32>
      %and3A_321 = arith.andi %and3A_313, %eq3A_320 : vector<64x2048xi1>
      %lt3A_322 = arith.constant 0 : i32
      %lt3A_323 = vector.broadcast %lt3A_322 : i32 to vector<1x2048xi32>
      %lt3A_324 = arith.cmpi slt, %while3A_295, %lt3A_323 : vector<1x2048xi32>
      %lt3A_325 = arith.constant 32 : i32
      %lt3A_326 = vector.broadcast %lt3A_325 : i32 to vector<64x1xi32>
      %lt3A_327 = arith.cmpi slt, %while3A_296, %lt3A_326 : vector<64x1xi32>
      %and3A_328 = vector.broadcast %lt3A_324 : vector<1x2048xi1> to vector<64x2048xi1>
      %and3A_329 = vector.broadcast %lt3A_327 : vector<64x1xi1> to vector<64x2048xi1>
      %and3A_330 = arith.andi %and3A_328, %and3A_329 : vector<64x2048xi1>
      %jit3A_331 = arith.constant 0xFF800000 : f32
      %broadcast_in_dim3A_332 = vector.broadcast %jit3A_331 : f32 to vector<64x2048xf32>
      %select_n3A_333 = arith.select %and3A_330, %dot_general3A_5, %broadcast_in_dim3A_332 : vector<64x2048xi1>, vector<64x2048xf32>
      %reduce_max3A_334 = arith.constant dense<0xFF800000> : vector<64xf32>
      %reduce_max3A_335 = vector.multi_reduction <maximumf>, %select_n3A_333, %reduce_max3A_334 [1] : vector<64x2048xf32> to vector<64xf32>
      %broadcast_in_dim3A_336 = vector.shape_cast %reduce_max3A_335 : vector<64xf32> to vector<64x1xf32>
      %eq3A_337 = vector.broadcast %broadcast_in_dim3A_336 : vector<64x1xf32> to vector<64x2048xf32>
      %eq3A_338 = arith.cmpf oeq, %select_n3A_333, %eq3A_337 : vector<64x2048xf32>
      %and3A_339 = arith.andi %and3A_330, %eq3A_338 : vector<64x2048xi1>
      %and3A_340 = arith.andi %and3A_339, %and3A_321 : vector<64x2048xi1>
      %convert_element_type3A_341 = arith.extui %and3A_340 : vector<64x2048xi1> to vector<64x2048xi32>
      %reduce_sum3A_342 = arith.constant dense<0> : vector<64xi32>
      %reduce_sum3A_343 = vector.multi_reduction <add>, %convert_element_type3A_341, %reduce_sum3A_342 [1] : vector<64x2048xi32> to vector<64xi32>
      %broadcast_in_dim3A_344 = vector.shape_cast %reduce_sum3A_343 : vector<64xi32> to vector<64x1xi32>
      %eq3A_345 = arith.constant 1 : i32
      %eq3A_346 = vector.broadcast %eq3A_345 : i32 to vector<64x1xi32>
      %eq3A_347 = arith.cmpi eq, %broadcast_in_dim3A_344, %eq3A_346 : vector<64x1xi32>
      %and3A_348 = vector.broadcast %eq3A_347 : vector<64x1xi1> to vector<64x2048xi1>
      %and3A_349 = arith.andi %and3A_340, %and3A_348 : vector<64x2048xi1>
      %jit3A_350 = arith.constant 0 : i32
      %broadcast_in_dim3A_351 = vector.broadcast %jit3A_350 : i32 to vector<64x1xi32>
      %select_n3A_352 = arith.select %eq3A_347, %broadcast_in_dim3A_344, %broadcast_in_dim3A_351 : vector<64x1xi1>, vector<64x1xi32>
      %reduce_or3A = arith.constant 1.000000e+00 : f32
      %reduce_or3A_353 = arith.constant 0.000000e+00 : f32
      %reduce_or3A_354 = vector.broadcast %reduce_or3A : f32 to vector<64x2048xf32>
      %reduce_or3A_355 = vector.broadcast %reduce_or3A_353 : f32 to vector<64x2048xf32>
      %reduce_or3A_356 = arith.select %and3A_349, %reduce_or3A_354, %reduce_or3A_355 : vector<64x2048xi1>, vector<64x2048xf32>
      %reduce_or3A_357 = arith.constant dense<0xFF800000> : vector<2048xf32>
      %reduce_or3A_358 = vector.multi_reduction <maximumf>, %reduce_or3A_356, %reduce_or3A_357 [0] : vector<64x2048xf32> to vector<2048xf32>
      %reduce_or3A_359 = arith.constant 0.000000e+00 : f32
      %reduce_or3A_360 = vector.broadcast %reduce_or3A_359 : f32 to vector<2048xf32>
      %reduce_or3A_361 = arith.cmpf ogt, %reduce_or3A_358, %reduce_or3A_360 : vector<2048xf32>
      %broadcast_in_dim3A_362 = vector.shape_cast %reduce_or3A_361 : vector<2048xi1> to vector<1x2048xi1>
      %select_n3A_363 = arith.select %broadcast_in_dim3A_362, %broadcast_in_dim3A_318, %while3A_295 : vector<1x2048xi1>, vector<1x2048xi32>
      %add3A_364 = arith.addi %while3A_296, %select_n3A_352 : vector<64x1xi32>
      %lt3A_365 = arith.constant 0 : i32
      %lt3A_366 = vector.broadcast %lt3A_365 : i32 to vector<1x2048xi32>
      %lt3A_367 = arith.cmpi slt, %select_n3A_363, %lt3A_366 : vector<1x2048xi32>
      %lt3A_368 = arith.constant 32 : i32
      %lt3A_369 = vector.broadcast %lt3A_368 : i32 to vector<64x1xi32>
      %lt3A_370 = arith.cmpi slt, %add3A_364, %lt3A_369 : vector<64x1xi32>
      %and3A_371 = vector.broadcast %lt3A_367 : vector<1x2048xi1> to vector<64x2048xi1>
      %and3A_372 = vector.broadcast %lt3A_370 : vector<64x1xi1> to vector<64x2048xi1>
      %and3A_373 = arith.andi %and3A_371, %and3A_372 : vector<64x2048xi1>
      %jit3A_374 = arith.constant 0xFF800000 : f32
      %broadcast_in_dim3A_375 = vector.broadcast %jit3A_374 : f32 to vector<64x2048xf32>
      %select_n3A_376 = arith.select %and3A_373, %dot_general3A_5, %broadcast_in_dim3A_375 : vector<64x2048xi1>, vector<64x2048xf32>
      %reduce_max3A_377 = arith.constant dense<0xFF800000> : vector<64xf32>
      %reduce_max3A_378 = vector.multi_reduction <maximumf>, %select_n3A_376, %reduce_max3A_377 [1] : vector<64x2048xf32> to vector<64xf32>
      %broadcast_in_dim3A_379 = vector.shape_cast %reduce_max3A_378 : vector<64xf32> to vector<64x1xf32>
      %eq3A_380 = vector.broadcast %broadcast_in_dim3A_379 : vector<64x1xf32> to vector<64x2048xf32>
      %eq3A_381 = arith.cmpf oeq, %select_n3A_376, %eq3A_380 : vector<64x2048xf32>
      %and3A_382 = arith.andi %and3A_373, %eq3A_381 : vector<64x2048xi1>
      %and3A_383 = arith.andi %and3A_382, %and3A_321 : vector<64x2048xi1>
      %convert_element_type3A_384 = arith.extui %and3A_383 : vector<64x2048xi1> to vector<64x2048xi32>
      %reduce_sum3A_385 = arith.constant dense<0> : vector<64xi32>
      %reduce_sum3A_386 = vector.multi_reduction <add>, %convert_element_type3A_384, %reduce_sum3A_385 [1] : vector<64x2048xi32> to vector<64xi32>
      %broadcast_in_dim3A_387 = vector.shape_cast %reduce_sum3A_386 : vector<64xi32> to vector<64x1xi32>
      %eq3A_388 = arith.constant 1 : i32
      %eq3A_389 = vector.broadcast %eq3A_388 : i32 to vector<64x1xi32>
      %eq3A_390 = arith.cmpi eq, %broadcast_in_dim3A_387, %eq3A_389 : vector<64x1xi32>
      %and3A_391 = vector.broadcast %eq3A_390 : vector<64x1xi1> to vector<64x2048xi1>
      %and3A_392 = arith.andi %and3A_383, %and3A_391 : vector<64x2048xi1>
      %jit3A_393 = arith.constant 0 : i32
      %broadcast_in_dim3A_394 = vector.broadcast %jit3A_393 : i32 to vector<64x1xi32>
      %select_n3A_395 = arith.select %eq3A_390, %broadcast_in_dim3A_387, %broadcast_in_dim3A_394 : vector<64x1xi1>, vector<64x1xi32>
      %reduce_or3A_396 = arith.constant 1.000000e+00 : f32
      %reduce_or3A_397 = arith.constant 0.000000e+00 : f32
      %reduce_or3A_398 = vector.broadcast %reduce_or3A_396 : f32 to vector<64x2048xf32>
      %reduce_or3A_399 = vector.broadcast %reduce_or3A_397 : f32 to vector<64x2048xf32>
      %reduce_or3A_400 = arith.select %and3A_392, %reduce_or3A_398, %reduce_or3A_399 : vector<64x2048xi1>, vector<64x2048xf32>
      %reduce_or3A_401 = arith.constant dense<0xFF800000> : vector<2048xf32>
      %reduce_or3A_402 = vector.multi_reduction <maximumf>, %reduce_or3A_400, %reduce_or3A_401 [0] : vector<64x2048xf32> to vector<2048xf32>
      %reduce_or3A_403 = arith.constant 0.000000e+00 : f32
      %reduce_or3A_404 = vector.broadcast %reduce_or3A_403 : f32 to vector<2048xf32>
      %reduce_or3A_405 = arith.cmpf ogt, %reduce_or3A_402, %reduce_or3A_404 : vector<2048xf32>
      %broadcast_in_dim3A_406 = vector.shape_cast %reduce_or3A_405 : vector<2048xi1> to vector<1x2048xi1>
      %select_n3A_407 = arith.select %broadcast_in_dim3A_406, %broadcast_in_dim3A_318, %select_n3A_363 : vector<1x2048xi1>, vector<1x2048xi32>
      %add3A_408 = arith.addi %add3A_364, %select_n3A_395 : vector<64x1xi32>
      %lt3A_409 = arith.constant 0 : i32
      %lt3A_410 = vector.broadcast %lt3A_409 : i32 to vector<1x2048xi32>
      %lt3A_411 = arith.cmpi slt, %select_n3A_407, %lt3A_410 : vector<1x2048xi32>
      %lt3A_412 = arith.constant 32 : i32
      %lt3A_413 = vector.broadcast %lt3A_412 : i32 to vector<64x1xi32>
      %lt3A_414 = arith.cmpi slt, %add3A_408, %lt3A_413 : vector<64x1xi32>
      %and3A_415 = vector.broadcast %lt3A_411 : vector<1x2048xi1> to vector<64x2048xi1>
      %and3A_416 = vector.broadcast %lt3A_414 : vector<64x1xi1> to vector<64x2048xi1>
      %and3A_417 = arith.andi %and3A_415, %and3A_416 : vector<64x2048xi1>
      %jit3A_418 = arith.constant 0xFF800000 : f32
      %broadcast_in_dim3A_419 = vector.broadcast %jit3A_418 : f32 to vector<64x2048xf32>
      %select_n3A_420 = arith.select %and3A_417, %dot_general3A_5, %broadcast_in_dim3A_419 : vector<64x2048xi1>, vector<64x2048xf32>
      %reduce_max3A_421 = arith.constant dense<0xFF800000> : vector<64xf32>
      %reduce_max3A_422 = vector.multi_reduction <maximumf>, %select_n3A_420, %reduce_max3A_421 [1] : vector<64x2048xf32> to vector<64xf32>
      %broadcast_in_dim3A_423 = vector.shape_cast %reduce_max3A_422 : vector<64xf32> to vector<64x1xf32>
      %eq3A_424 = vector.broadcast %broadcast_in_dim3A_423 : vector<64x1xf32> to vector<64x2048xf32>
      %eq3A_425 = arith.cmpf oeq, %select_n3A_420, %eq3A_424 : vector<64x2048xf32>
      %and3A_426 = arith.andi %and3A_417, %eq3A_425 : vector<64x2048xi1>
      %and3A_427 = arith.andi %and3A_426, %and3A_321 : vector<64x2048xi1>
      %convert_element_type3A_428 = arith.extui %and3A_427 : vector<64x2048xi1> to vector<64x2048xi32>
      %reduce_sum3A_429 = arith.constant dense<0> : vector<64xi32>
      %reduce_sum3A_430 = vector.multi_reduction <add>, %convert_element_type3A_428, %reduce_sum3A_429 [1] : vector<64x2048xi32> to vector<64xi32>
      %broadcast_in_dim3A_431 = vector.shape_cast %reduce_sum3A_430 : vector<64xi32> to vector<64x1xi32>
      %eq3A_432 = arith.constant 1 : i32
      %eq3A_433 = vector.broadcast %eq3A_432 : i32 to vector<64x1xi32>
      %eq3A_434 = arith.cmpi eq, %broadcast_in_dim3A_431, %eq3A_433 : vector<64x1xi32>
      %and3A_435 = vector.broadcast %eq3A_434 : vector<64x1xi1> to vector<64x2048xi1>
      %and3A_436 = arith.andi %and3A_427, %and3A_435 : vector<64x2048xi1>
      %jit3A_437 = arith.constant 0 : i32
      %broadcast_in_dim3A_438 = vector.broadcast %jit3A_437 : i32 to vector<64x1xi32>
      %select_n3A_439 = arith.select %eq3A_434, %broadcast_in_dim3A_431, %broadcast_in_dim3A_438 : vector<64x1xi1>, vector<64x1xi32>
      %reduce_or3A_440 = arith.constant 1.000000e+00 : f32
      %reduce_or3A_441 = arith.constant 0.000000e+00 : f32
      %reduce_or3A_442 = vector.broadcast %reduce_or3A_440 : f32 to vector<64x2048xf32>
      %reduce_or3A_443 = vector.broadcast %reduce_or3A_441 : f32 to vector<64x2048xf32>
      %reduce_or3A_444 = arith.select %and3A_436, %reduce_or3A_442, %reduce_or3A_443 : vector<64x2048xi1>, vector<64x2048xf32>
      %reduce_or3A_445 = arith.constant dense<0xFF800000> : vector<2048xf32>
      %reduce_or3A_446 = vector.multi_reduction <maximumf>, %reduce_or3A_444, %reduce_or3A_445 [0] : vector<64x2048xf32> to vector<2048xf32>
      %reduce_or3A_447 = arith.constant 0.000000e+00 : f32
      %reduce_or3A_448 = vector.broadcast %reduce_or3A_447 : f32 to vector<2048xf32>
      %reduce_or3A_449 = arith.cmpf ogt, %reduce_or3A_446, %reduce_or3A_448 : vector<2048xf32>
      %broadcast_in_dim3A_450 = vector.shape_cast %reduce_or3A_449 : vector<2048xi1> to vector<1x2048xi1>
      %select_n3A_451 = arith.select %broadcast_in_dim3A_450, %broadcast_in_dim3A_318, %select_n3A_407 : vector<1x2048xi1>, vector<1x2048xi32>
      %add3A_452 = arith.addi %add3A_408, %select_n3A_439 : vector<64x1xi32>
      %lt3A_453 = arith.constant 0 : i32
      %lt3A_454 = vector.broadcast %lt3A_453 : i32 to vector<1x2048xi32>
      %lt3A_455 = arith.cmpi slt, %select_n3A_451, %lt3A_454 : vector<1x2048xi32>
      %lt3A_456 = arith.constant 32 : i32
      %lt3A_457 = vector.broadcast %lt3A_456 : i32 to vector<64x1xi32>
      %lt3A_458 = arith.cmpi slt, %add3A_452, %lt3A_457 : vector<64x1xi32>
      %and3A_459 = vector.broadcast %lt3A_455 : vector<1x2048xi1> to vector<64x2048xi1>
      %and3A_460 = vector.broadcast %lt3A_458 : vector<64x1xi1> to vector<64x2048xi1>
      %and3A_461 = arith.andi %and3A_459, %and3A_460 : vector<64x2048xi1>
      %jit3A_462 = arith.constant 0xFF800000 : f32
      %broadcast_in_dim3A_463 = vector.broadcast %jit3A_462 : f32 to vector<64x2048xf32>
      %select_n3A_464 = arith.select %and3A_461, %dot_general3A_5, %broadcast_in_dim3A_463 : vector<64x2048xi1>, vector<64x2048xf32>
      %reduce_max3A_465 = arith.constant dense<0xFF800000> : vector<64xf32>
      %reduce_max3A_466 = vector.multi_reduction <maximumf>, %select_n3A_464, %reduce_max3A_465 [1] : vector<64x2048xf32> to vector<64xf32>
      %broadcast_in_dim3A_467 = vector.shape_cast %reduce_max3A_466 : vector<64xf32> to vector<64x1xf32>
      %eq3A_468 = vector.broadcast %broadcast_in_dim3A_467 : vector<64x1xf32> to vector<64x2048xf32>
      %eq3A_469 = arith.cmpf oeq, %select_n3A_464, %eq3A_468 : vector<64x2048xf32>
      %and3A_470 = arith.andi %and3A_461, %eq3A_469 : vector<64x2048xi1>
      %and3A_471 = arith.andi %and3A_470, %and3A_321 : vector<64x2048xi1>
      %jit3A_472 = arith.constant 2048 : i32
      %broadcast_in_dim3A_473 = vector.broadcast %jit3A_472 : i32 to vector<64x2048xi32>
      %select_n3A_474 = arith.select %and3A_470, %iota3A_6, %broadcast_in_dim3A_473 : vector<64x2048xi1>, vector<64x2048xi32>
      %reduce_min3A_475 = arith.constant dense<2147483647> : vector<64xi32>
      %reduce_min3A_476 = vector.multi_reduction <minsi>, %select_n3A_474, %reduce_min3A_475 [1] : vector<64x2048xi32> to vector<64xi32>
      %broadcast_in_dim3A_477 = vector.shape_cast %reduce_min3A_476 : vector<64xi32> to vector<64x1xi32>
      %eq3A_478 = vector.broadcast %broadcast_in_dim3A_477 : vector<64x1xi32> to vector<64x2048xi32>
      %eq3A_479 = arith.cmpi eq, %iota3A_6, %eq3A_478 : vector<64x2048xi32>
      %and3A_480 = arith.andi %and3A_471, %eq3A_479 : vector<64x2048xi1>
      %convert_element_type3A_481 = arith.extui %and3A_480 : vector<64x2048xi1> to vector<64x2048xi32>
      %reduce_sum3A_482 = arith.constant dense<0> : vector<64xi32>
      %reduce_sum3A_483 = vector.multi_reduction <add>, %convert_element_type3A_481, %reduce_sum3A_482 [1] : vector<64x2048xi32> to vector<64xi32>
      %broadcast_in_dim3A_484 = vector.shape_cast %reduce_sum3A_483 : vector<64xi32> to vector<64x1xi32>
      %reduce_or3A_485 = arith.constant 1.000000e+00 : f32
      %reduce_or3A_486 = arith.constant 0.000000e+00 : f32
      %reduce_or3A_487 = vector.broadcast %reduce_or3A_485 : f32 to vector<64x2048xf32>
      %reduce_or3A_488 = vector.broadcast %reduce_or3A_486 : f32 to vector<64x2048xf32>
      %reduce_or3A_489 = arith.select %and3A_480, %reduce_or3A_487, %reduce_or3A_488 : vector<64x2048xi1>, vector<64x2048xf32>
      %reduce_or3A_490 = arith.constant dense<0xFF800000> : vector<2048xf32>
      %reduce_or3A_491 = vector.multi_reduction <maximumf>, %reduce_or3A_489, %reduce_or3A_490 [0] : vector<64x2048xf32> to vector<2048xf32>
      %reduce_or3A_492 = arith.constant 0.000000e+00 : f32
      %reduce_or3A_493 = vector.broadcast %reduce_or3A_492 : f32 to vector<2048xf32>
      %reduce_or3A_494 = arith.cmpf ogt, %reduce_or3A_491, %reduce_or3A_493 : vector<2048xf32>
      %broadcast_in_dim3A_495 = vector.shape_cast %reduce_or3A_494 : vector<2048xi1> to vector<1x2048xi1>
      %select_n3A_496 = arith.select %broadcast_in_dim3A_495, %broadcast_in_dim3A_318, %select_n3A_451 : vector<1x2048xi1>, vector<1x2048xi32>
      %add3A_497 = arith.addi %add3A_452, %broadcast_in_dim3A_484 : vector<64x1xi32>
      scf.yield %select_n3A_496, %add3A_497 : vector<1x2048xi32>, vector<64x1xi32>
    }
    %reduce_sum3A = vector.shape_cast %while3A#1 : vector<64x1xi32> to vector<1x64x1xi32>
    %reduce_sum3A_10 = arith.constant dense<0> : vector<1xi32>
    %reduce_sum3A_11 = vector.multi_reduction <add>, %reduce_sum3A, %reduce_sum3A_10 [1, 2] : vector<1x64x1xi32> to vector<1xi32>
    %reduce_sum3A_12 = vector.shape_cast %reduce_sum3A_11 : vector<1xi32> to vector<1x1x1xi32>
    %reduce_sum3A_13 = vector.extract %reduce_sum3A_12[0, 0, 0] : i32 from vector<1x1x1xi32>
    %sub3A = arith.constant 2048 : i32
    %sub3A_14 = arith.subi %sub3A, %reduce_sum3A_13 : i32
    %iota3A_15 = tpu.iota {dimensions = array<i32: 0>} : vector<256x256xi32>
    %iota3A_16 = tpu.iota {dimensions = array<i32: 1>} : vector<256x256xi32>
    %lt3A = arith.cmpi slt, %iota3A_15, %iota3A_16 : vector<256x256xi32>
    %convert_element_type3A = arith.extui %lt3A : vector<256x256xi1> to vector<256x256xi32>
    %convert_element_type3A_17 = arith.sitofp %convert_element_type3A : vector<256x256xi32> to vector<256x256xf32>
    %lt3A_18 = arith.constant 0 : i32
    %lt3A_19 = vector.broadcast %lt3A_18 : i32 to vector<1x2048xi32>
    %lt3A_20 = arith.cmpi slt, %while3A#0, %lt3A_19 : vector<1x2048xi32>
    %convert_element_type3A_21 = arith.extui %lt3A_20 : vector<1x2048xi1> to vector<1x2048xi32>
    %convert_element_type3A_22 = arith.sitofp %convert_element_type3A_21 : vector<1x2048xi32> to vector<1x2048xf32>
    %broadcast_in_dim3A_23 = arith.constant 0.000000e+00 : f32
    %broadcast_in_dim3A_24 = vector.broadcast %broadcast_in_dim3A_23 : f32 to vector<1x1xf32>
    %slice3A = vector.extract_strided_slice %convert_element_type3A_22 {offsets = [0, 0], sizes = [1, 256], strides = [1, 1]} : vector<1x2048xf32> to vector<1x256xf32>
    %dot_general3A_25 = arith.constant dense<0.000000e+00> : vector<1x256xf32>
    %dot_general3A_26 = tpu.matmul %slice3A, %convert_element_type3A_17, %dot_general3A_25 {dimension_numbers = #tpu.dot_dimension_numbers<[1], [0], [0], [1], [0, 0, 1, 1], [], []>, precision = #tpu.contract_precision<fp32>, transpose_lhs_hint = false} : vector<1x256xf32>, vector<256x256xf32>, vector<1x256xf32> -> vector<1x256xf32>
    %add3A = vector.broadcast %broadcast_in_dim3A_24 : vector<1x1xf32> to vector<1x256xf32>
    %add3A_27 = arith.addf %dot_general3A_26, %add3A : vector<1x256xf32>
    %reduce_sum3A_28 = arith.constant dense<0.000000e+00> : vector<1xf32>
    %reduce_sum3A_29 = vector.multi_reduction <add>, %slice3A, %reduce_sum3A_28 [1] : vector<1x256xf32> to vector<1xf32>
    %broadcast_in_dim3A_30 = vector.shape_cast %reduce_sum3A_29 : vector<1xf32> to vector<1x1xf32>
    %add3A_31 = arith.addf %broadcast_in_dim3A_24, %broadcast_in_dim3A_30 : vector<1x1xf32>
    %slice3A_32 = vector.extract_strided_slice %convert_element_type3A_22 {offsets = [0, 256], sizes = [1, 256], strides = [1, 1]} : vector<1x2048xf32> to vector<1x256xf32>
    %dot_general3A_33 = arith.constant dense<0.000000e+00> : vector<1x256xf32>
    %dot_general3A_34 = tpu.matmul %slice3A_32, %convert_element_type3A_17, %dot_general3A_33 {dimension_numbers = #tpu.dot_dimension_numbers<[1], [0], [0], [1], [0, 0, 1, 1], [], []>, precision = #tpu.contract_precision<fp32>, transpose_lhs_hint = false} : vector<1x256xf32>, vector<256x256xf32>, vector<1x256xf32> -> vector<1x256xf32>
    %add3A_35 = vector.broadcast %add3A_31 : vector<1x1xf32> to vector<1x256xf32>
    %add3A_36 = arith.addf %dot_general3A_34, %add3A_35 : vector<1x256xf32>
    %reduce_sum3A_37 = arith.constant dense<0.000000e+00> : vector<1xf32>
    %reduce_sum3A_38 = vector.multi_reduction <add>, %slice3A_32, %reduce_sum3A_37 [1] : vector<1x256xf32> to vector<1xf32>
    %broadcast_in_dim3A_39 = vector.shape_cast %reduce_sum3A_38 : vector<1xf32> to vector<1x1xf32>
    %add3A_40 = arith.addf %add3A_31, %broadcast_in_dim3A_39 : vector<1x1xf32>
    %slice3A_41 = vector.extract_strided_slice %convert_element_type3A_22 {offsets = [0, 512], sizes = [1, 256], strides = [1, 1]} : vector<1x2048xf32> to vector<1x256xf32>
    %dot_general3A_42 = arith.constant dense<0.000000e+00> : vector<1x256xf32>
    %dot_general3A_43 = tpu.matmul %slice3A_41, %convert_element_type3A_17, %dot_general3A_42 {dimension_numbers = #tpu.dot_dimension_numbers<[1], [0], [0], [1], [0, 0, 1, 1], [], []>, precision = #tpu.contract_precision<fp32>, transpose_lhs_hint = false} : vector<1x256xf32>, vector<256x256xf32>, vector<1x256xf32> -> vector<1x256xf32>
    %add3A_44 = vector.broadcast %add3A_40 : vector<1x1xf32> to vector<1x256xf32>
    %add3A_45 = arith.addf %dot_general3A_43, %add3A_44 : vector<1x256xf32>
    %reduce_sum3A_46 = arith.constant dense<0.000000e+00> : vector<1xf32>
    %reduce_sum3A_47 = vector.multi_reduction <add>, %slice3A_41, %reduce_sum3A_46 [1] : vector<1x256xf32> to vector<1xf32>
    %broadcast_in_dim3A_48 = vector.shape_cast %reduce_sum3A_47 : vector<1xf32> to vector<1x1xf32>
    %add3A_49 = arith.addf %add3A_40, %broadcast_in_dim3A_48 : vector<1x1xf32>
    %slice3A_50 = vector.extract_strided_slice %convert_element_type3A_22 {offsets = [0, 768], sizes = [1, 256], strides = [1, 1]} : vector<1x2048xf32> to vector<1x256xf32>
    %dot_general3A_51 = arith.constant dense<0.000000e+00> : vector<1x256xf32>
    %dot_general3A_52 = tpu.matmul %slice3A_50, %convert_element_type3A_17, %dot_general3A_51 {dimension_numbers = #tpu.dot_dimension_numbers<[1], [0], [0], [1], [0, 0, 1, 1], [], []>, precision = #tpu.contract_precision<fp32>, transpose_lhs_hint = false} : vector<1x256xf32>, vector<256x256xf32>, vector<1x256xf32> -> vector<1x256xf32>
    %add3A_53 = vector.broadcast %add3A_49 : vector<1x1xf32> to vector<1x256xf32>
    %add3A_54 = arith.addf %dot_general3A_52, %add3A_53 : vector<1x256xf32>
    %reduce_sum3A_55 = arith.constant dense<0.000000e+00> : vector<1xf32>
    %reduce_sum3A_56 = vector.multi_reduction <add>, %slice3A_50, %reduce_sum3A_55 [1] : vector<1x256xf32> to vector<1xf32>
    %broadcast_in_dim3A_57 = vector.shape_cast %reduce_sum3A_56 : vector<1xf32> to vector<1x1xf32>
    %add3A_58 = arith.addf %add3A_49, %broadcast_in_dim3A_57 : vector<1x1xf32>
    %slice3A_59 = vector.extract_strided_slice %convert_element_type3A_22 {offsets = [0, 1024], sizes = [1, 256], strides = [1, 1]} : vector<1x2048xf32> to vector<1x256xf32>
    %dot_general3A_60 = arith.constant dense<0.000000e+00> : vector<1x256xf32>
    %dot_general3A_61 = tpu.matmul %slice3A_59, %convert_element_type3A_17, %dot_general3A_60 {dimension_numbers = #tpu.dot_dimension_numbers<[1], [0], [0], [1], [0, 0, 1, 1], [], []>, precision = #tpu.contract_precision<fp32>, transpose_lhs_hint = false} : vector<1x256xf32>, vector<256x256xf32>, vector<1x256xf32> -> vector<1x256xf32>
    %add3A_62 = vector.broadcast %add3A_58 : vector<1x1xf32> to vector<1x256xf32>
    %add3A_63 = arith.addf %dot_general3A_61, %add3A_62 : vector<1x256xf32>
    %reduce_sum3A_64 = arith.constant dense<0.000000e+00> : vector<1xf32>
    %reduce_sum3A_65 = vector.multi_reduction <add>, %slice3A_59, %reduce_sum3A_64 [1] : vector<1x256xf32> to vector<1xf32>
    %broadcast_in_dim3A_66 = vector.shape_cast %reduce_sum3A_65 : vector<1xf32> to vector<1x1xf32>
    %add3A_67 = arith.addf %add3A_58, %broadcast_in_dim3A_66 : vector<1x1xf32>
    %slice3A_68 = vector.extract_strided_slice %convert_element_type3A_22 {offsets = [0, 1280], sizes = [1, 256], strides = [1, 1]} : vector<1x2048xf32> to vector<1x256xf32>
    %dot_general3A_69 = arith.constant dense<0.000000e+00> : vector<1x256xf32>
    %dot_general3A_70 = tpu.matmul %slice3A_68, %convert_element_type3A_17, %dot_general3A_69 {dimension_numbers = #tpu.dot_dimension_numbers<[1], [0], [0], [1], [0, 0, 1, 1], [], []>, precision = #tpu.contract_precision<fp32>, transpose_lhs_hint = false} : vector<1x256xf32>, vector<256x256xf32>, vector<1x256xf32> -> vector<1x256xf32>
    %add3A_71 = vector.broadcast %add3A_67 : vector<1x1xf32> to vector<1x256xf32>
    %add3A_72 = arith.addf %dot_general3A_70, %add3A_71 : vector<1x256xf32>
    %reduce_sum3A_73 = arith.constant dense<0.000000e+00> : vector<1xf32>
    %reduce_sum3A_74 = vector.multi_reduction <add>, %slice3A_68, %reduce_sum3A_73 [1] : vector<1x256xf32> to vector<1xf32>
    %broadcast_in_dim3A_75 = vector.shape_cast %reduce_sum3A_74 : vector<1xf32> to vector<1x1xf32>
    %add3A_76 = arith.addf %add3A_67, %broadcast_in_dim3A_75 : vector<1x1xf32>
    %slice3A_77 = vector.extract_strided_slice %convert_element_type3A_22 {offsets = [0, 1536], sizes = [1, 256], strides = [1, 1]} : vector<1x2048xf32> to vector<1x256xf32>
    %dot_general3A_78 = arith.constant dense<0.000000e+00> : vector<1x256xf32>
    %dot_general3A_79 = tpu.matmul %slice3A_77, %convert_element_type3A_17, %dot_general3A_78 {dimension_numbers = #tpu.dot_dimension_numbers<[1], [0], [0], [1], [0, 0, 1, 1], [], []>, precision = #tpu.contract_precision<fp32>, transpose_lhs_hint = false} : vector<1x256xf32>, vector<256x256xf32>, vector<1x256xf32> -> vector<1x256xf32>
    %add3A_80 = vector.broadcast %add3A_76 : vector<1x1xf32> to vector<1x256xf32>
    %add3A_81 = arith.addf %dot_general3A_79, %add3A_80 : vector<1x256xf32>
    %reduce_sum3A_82 = arith.constant dense<0.000000e+00> : vector<1xf32>
    %reduce_sum3A_83 = vector.multi_reduction <add>, %slice3A_77, %reduce_sum3A_82 [1] : vector<1x256xf32> to vector<1xf32>
    %broadcast_in_dim3A_84 = vector.shape_cast %reduce_sum3A_83 : vector<1xf32> to vector<1x1xf32>
    %add3A_85 = arith.addf %add3A_76, %broadcast_in_dim3A_84 : vector<1x1xf32>
    %slice3A_86 = vector.extract_strided_slice %convert_element_type3A_22 {offsets = [0, 1792], sizes = [1, 256], strides = [1, 1]} : vector<1x2048xf32> to vector<1x256xf32>
    %dot_general3A_87 = arith.constant dense<0.000000e+00> : vector<1x256xf32>
    %dot_general3A_88 = tpu.matmul %slice3A_86, %convert_element_type3A_17, %dot_general3A_87 {dimension_numbers = #tpu.dot_dimension_numbers<[1], [0], [0], [1], [0, 0, 1, 1], [], []>, precision = #tpu.contract_precision<fp32>, transpose_lhs_hint = false} : vector<1x256xf32>, vector<256x256xf32>, vector<1x256xf32> -> vector<1x256xf32>
    %add3A_89 = vector.broadcast %add3A_85 : vector<1x1xf32> to vector<1x256xf32>
    %add3A_90 = arith.addf %dot_general3A_88, %add3A_89 : vector<1x256xf32>
    %concatenate3A = tpu.concatenate %add3A_27, %add3A_36, %add3A_45, %add3A_54, %add3A_63, %add3A_72, %add3A_81, %add3A_90 in 1 : vector<1x256xf32>, vector<1x256xf32>, vector<1x256xf32>, vector<1x256xf32>, vector<1x256xf32>, vector<1x256xf32>, vector<1x256xf32>, vector<1x256xf32> -> vector<1x2048xf32>
    %convert_element_type3A_91 = arith.fptosi %concatenate3A : vector<1x2048xf32> to vector<1x2048xi32>
    %iota3A_92 = tpu.iota {dimensions = array<i32: 0>} : vector<512x2048xi32>
    %eq3A = vector.broadcast %convert_element_type3A_91 : vector<1x2048xi32> to vector<512x2048xi32>
    %eq3A_93 = arith.cmpi eq, %iota3A_92, %eq3A : vector<512x2048xi32>
    %and3A = vector.broadcast %lt3A_20 : vector<1x2048xi1> to vector<512x2048xi1>
    %and3A_94 = arith.andi %eq3A_93, %and3A : vector<512x2048xi1>
    %convert_element_type3A_95 = arith.extui %and3A_94 : vector<512x2048xi1> to vector<512x2048xi32>
    %convert_element_type3A_96 = arith.sitofp %convert_element_type3A_95 : vector<512x2048xi32> to vector<512x2048xf32>
    %dot_general3A_97 = arith.constant dense<0.000000e+00> : vector<64x512xf32>
    %dot_general3A_98 = tpu.matmul %dot_general3A_5, %convert_element_type3A_96, %dot_general3A_97 {dimension_numbers = #tpu.dot_dimension_numbers<[1], [1], [0], [0], [0, 0, 1, 0], [], []>, precision = #tpu.contract_precision<fp32>, transpose_lhs_hint = false} : vector<64x2048xf32>, vector<512x2048xf32>, vector<64x512xf32> -> vector<64x512xf32>
    %slice3A_99 = vector.extract_strided_slice %iota3A_6 {offsets = [0, 0], sizes = [1, 2048], strides = [1, 1]} : vector<64x2048xi32> to vector<1x2048xi32>
    %convert_element_type3A_100 = arith.sitofp %slice3A_99 : vector<1x2048xi32> to vector<1x2048xf32>
    %dot_general3A_101 = arith.constant dense<0.000000e+00> : vector<1x512xf32>
    %dot_general3A_102 = tpu.matmul %convert_element_type3A_100, %convert_element_type3A_96, %dot_general3A_101 {dimension_numbers = #tpu.dot_dimension_numbers<[1], [1], [0], [0], [0, 0, 1, 0], [], []>, precision = #tpu.contract_precision<fp32>, transpose_lhs_hint = false} : vector<1x2048xf32>, vector<512x2048xf32>, vector<1x512xf32> -> vector<1x512xf32>
    %convert_element_type3A_103 = arith.fptosi %dot_general3A_102 : vector<1x512xf32> to vector<1x512xi32>
    %iota3A_104 = tpu.iota {dimensions = array<i32: 0>} : vector<64x512xi32>
    %iota3A_105 = tpu.iota {dimensions = array<i32: 1>} : vector<1x512xi32>
    %lt3A_106 = vector.broadcast %sub3A_14 : i32 to vector<1x512xi32>
    %lt3A_107 = arith.cmpi slt, %iota3A_105, %lt3A_106 : vector<1x512xi32>
    %broadcast_in_dim3A_108 = vector.shape_cast %convert_element_type3A_103 : vector<1x512xi32> to vector<1x512xi32>
    %broadcast_in_dim3A_109 = vector.broadcast %broadcast_in_dim3A_108 : vector<1x512xi32> to vector<64x512xi32>
    %jit3A = arith.constant -1 : i32
    %jit3A_110 = arith.constant 0 : i32
    %broadcast_in_dim3A_111 = vector.broadcast %jit3A : i32 to vector<1x512xi32>
    %broadcast_in_dim3A_112 = vector.broadcast %jit3A_110 : i32 to vector<1x512xi32>
    %select_n3A = arith.select %lt3A_107, %broadcast_in_dim3A_111, %broadcast_in_dim3A_112 : vector<1x512xi1>, vector<1x512xi32>
    %while3A_113:2 = scf.while (%while3A_295 = %select_n3A, %while3A_296 = %while3A#1) : (vector<1x512xi32>, vector<64x1xi32>) -> (vector<1x512xi32>, vector<64x1xi32>) {
      %reduce_sum3A_297 = vector.shape_cast %while3A_296 : vector<64x1xi32> to vector<1x64x1xi32>
      %reduce_sum3A_298 = arith.constant dense<0> : vector<1xi32>
      %reduce_sum3A_299 = vector.multi_reduction <add>, %reduce_sum3A_297, %reduce_sum3A_298 [1, 2] : vector<1x64x1xi32> to vector<1xi32>
      %reduce_sum3A_300 = vector.shape_cast %reduce_sum3A_299 : vector<1xi32> to vector<1x1x1xi32>
      %reduce_sum3A_301 = vector.extract %reduce_sum3A_300[0, 0, 0] : i32 from vector<1x1x1xi32>
      %sub3A_302 = arith.constant 2048 : i32
      %sub3A_303 = arith.subi %sub3A_302, %reduce_sum3A_301 : i32
      %gt3A = arith.constant 0 : i32
      %gt3A_304 = arith.cmpi sgt, %sub3A_303, %gt3A : i32
      scf.condition(%gt3A_304) %while3A_295, %while3A_296 : vector<1x512xi32>, vector<64x1xi32>
    } do {
    ^bb0(%while3A_295: vector<1x512xi32>, %while3A_296: vector<64x1xi32>):
      %lt3A_297 = arith.constant 0 : i32
      %lt3A_298 = vector.broadcast %lt3A_297 : i32 to vector<1x512xi32>
      %lt3A_299 = arith.cmpi slt, %while3A_295, %lt3A_298 : vector<1x512xi32>
      %lt3A_300 = arith.constant 32 : i32
      %lt3A_301 = vector.broadcast %lt3A_300 : i32 to vector<64x1xi32>
      %lt3A_302 = arith.cmpi slt, %while3A_296, %lt3A_301 : vector<64x1xi32>
      %and3A_303 = vector.broadcast %lt3A_299 : vector<1x512xi1> to vector<64x512xi1>
      %and3A_304 = vector.broadcast %lt3A_302 : vector<64x1xi1> to vector<64x512xi1>
      %and3A_305 = arith.andi %and3A_303, %and3A_304 : vector<64x512xi1>
      %jit3A_306 = arith.constant 0xFF800000 : f32
      %broadcast_in_dim3A_307 = vector.broadcast %jit3A_306 : f32 to vector<64x512xf32>
      %select_n3A_308 = arith.select %and3A_305, %dot_general3A_98, %broadcast_in_dim3A_307 : vector<64x512xi1>, vector<64x512xf32>
      %reduce_max3A = arith.constant dense<0xFF800000> : vector<512xf32>
      %reduce_max3A_309 = vector.multi_reduction <maximumf>, %select_n3A_308, %reduce_max3A [0] : vector<64x512xf32> to vector<512xf32>
      %broadcast_in_dim3A_310 = vector.shape_cast %reduce_max3A_309 : vector<512xf32> to vector<1x512xf32>
      %eq3A_311 = vector.broadcast %broadcast_in_dim3A_310 : vector<1x512xf32> to vector<64x512xf32>
      %eq3A_312 = arith.cmpf oeq, %select_n3A_308, %eq3A_311 : vector<64x512xf32>
      %and3A_313 = arith.andi %and3A_305, %eq3A_312 : vector<64x512xi1>
      %jit3A_314 = arith.constant 64 : i32
      %broadcast_in_dim3A_315 = vector.broadcast %jit3A_314 : i32 to vector<64x512xi32>
      %select_n3A_316 = arith.select %and3A_313, %iota3A_104, %broadcast_in_dim3A_315 : vector<64x512xi1>, vector<64x512xi32>
      %reduce_min3A = arith.constant dense<2147483647> : vector<512xi32>
      %reduce_min3A_317 = vector.multi_reduction <minsi>, %select_n3A_316, %reduce_min3A [0] : vector<64x512xi32> to vector<512xi32>
      %broadcast_in_dim3A_318 = vector.shape_cast %reduce_min3A_317 : vector<512xi32> to vector<1x512xi32>
      %eq3A_319 = vector.broadcast %broadcast_in_dim3A_318 : vector<1x512xi32> to vector<64x512xi32>
      %eq3A_320 = arith.cmpi eq, %iota3A_104, %eq3A_319 : vector<64x512xi32>
      %and3A_321 = arith.andi %and3A_313, %eq3A_320 : vector<64x512xi1>
      %lt3A_322 = arith.constant 0 : i32
      %lt3A_323 = vector.broadcast %lt3A_322 : i32 to vector<1x512xi32>
      %lt3A_324 = arith.cmpi slt, %while3A_295, %lt3A_323 : vector<1x512xi32>
      %lt3A_325 = arith.constant 32 : i32
      %lt3A_326 = vector.broadcast %lt3A_325 : i32 to vector<64x1xi32>
      %lt3A_327 = arith.cmpi slt, %while3A_296, %lt3A_326 : vector<64x1xi32>
      %and3A_328 = vector.broadcast %lt3A_324 : vector<1x512xi1> to vector<64x512xi1>
      %and3A_329 = vector.broadcast %lt3A_327 : vector<64x1xi1> to vector<64x512xi1>
      %and3A_330 = arith.andi %and3A_328, %and3A_329 : vector<64x512xi1>
      %jit3A_331 = arith.constant 0xFF800000 : f32
      %broadcast_in_dim3A_332 = vector.broadcast %jit3A_331 : f32 to vector<64x512xf32>
      %select_n3A_333 = arith.select %and3A_330, %dot_general3A_98, %broadcast_in_dim3A_332 : vector<64x512xi1>, vector<64x512xf32>
      %reduce_max3A_334 = arith.constant dense<0xFF800000> : vector<64xf32>
      %reduce_max3A_335 = vector.multi_reduction <maximumf>, %select_n3A_333, %reduce_max3A_334 [1] : vector<64x512xf32> to vector<64xf32>
      %broadcast_in_dim3A_336 = vector.shape_cast %reduce_max3A_335 : vector<64xf32> to vector<64x1xf32>
      %eq3A_337 = vector.broadcast %broadcast_in_dim3A_336 : vector<64x1xf32> to vector<64x512xf32>
      %eq3A_338 = arith.cmpf oeq, %select_n3A_333, %eq3A_337 : vector<64x512xf32>
      %and3A_339 = arith.andi %and3A_330, %eq3A_338 : vector<64x512xi1>
      %and3A_340 = arith.andi %and3A_339, %and3A_321 : vector<64x512xi1>
      %convert_element_type3A_341 = arith.extui %and3A_340 : vector<64x512xi1> to vector<64x512xi32>
      %reduce_sum3A_342 = arith.constant dense<0> : vector<64xi32>
      %reduce_sum3A_343 = vector.multi_reduction <add>, %convert_element_type3A_341, %reduce_sum3A_342 [1] : vector<64x512xi32> to vector<64xi32>
      %broadcast_in_dim3A_344 = vector.shape_cast %reduce_sum3A_343 : vector<64xi32> to vector<64x1xi32>
      %eq3A_345 = arith.constant 1 : i32
      %eq3A_346 = vector.broadcast %eq3A_345 : i32 to vector<64x1xi32>
      %eq3A_347 = arith.cmpi eq, %broadcast_in_dim3A_344, %eq3A_346 : vector<64x1xi32>
      %and3A_348 = vector.broadcast %eq3A_347 : vector<64x1xi1> to vector<64x512xi1>
      %and3A_349 = arith.andi %and3A_340, %and3A_348 : vector<64x512xi1>
      %jit3A_350 = arith.constant 0 : i32
      %broadcast_in_dim3A_351 = vector.broadcast %jit3A_350 : i32 to vector<64x1xi32>
      %select_n3A_352 = arith.select %eq3A_347, %broadcast_in_dim3A_344, %broadcast_in_dim3A_351 : vector<64x1xi1>, vector<64x1xi32>
      %reduce_or3A = arith.constant 1.000000e+00 : f32
      %reduce_or3A_353 = arith.constant 0.000000e+00 : f32
      %reduce_or3A_354 = vector.broadcast %reduce_or3A : f32 to vector<64x512xf32>
      %reduce_or3A_355 = vector.broadcast %reduce_or3A_353 : f32 to vector<64x512xf32>
      %reduce_or3A_356 = arith.select %and3A_349, %reduce_or3A_354, %reduce_or3A_355 : vector<64x512xi1>, vector<64x512xf32>
      %reduce_or3A_357 = arith.constant dense<0xFF800000> : vector<512xf32>
      %reduce_or3A_358 = vector.multi_reduction <maximumf>, %reduce_or3A_356, %reduce_or3A_357 [0] : vector<64x512xf32> to vector<512xf32>
      %reduce_or3A_359 = arith.constant 0.000000e+00 : f32
      %reduce_or3A_360 = vector.broadcast %reduce_or3A_359 : f32 to vector<512xf32>
      %reduce_or3A_361 = arith.cmpf ogt, %reduce_or3A_358, %reduce_or3A_360 : vector<512xf32>
      %broadcast_in_dim3A_362 = vector.shape_cast %reduce_or3A_361 : vector<512xi1> to vector<1x512xi1>
      %select_n3A_363 = arith.select %broadcast_in_dim3A_362, %broadcast_in_dim3A_318, %while3A_295 : vector<1x512xi1>, vector<1x512xi32>
      %add3A_364 = arith.addi %while3A_296, %select_n3A_352 : vector<64x1xi32>
      %lt3A_365 = arith.constant 0 : i32
      %lt3A_366 = vector.broadcast %lt3A_365 : i32 to vector<1x512xi32>
      %lt3A_367 = arith.cmpi slt, %select_n3A_363, %lt3A_366 : vector<1x512xi32>
      %lt3A_368 = arith.constant 32 : i32
      %lt3A_369 = vector.broadcast %lt3A_368 : i32 to vector<64x1xi32>
      %lt3A_370 = arith.cmpi slt, %add3A_364, %lt3A_369 : vector<64x1xi32>
      %and3A_371 = vector.broadcast %lt3A_367 : vector<1x512xi1> to vector<64x512xi1>
      %and3A_372 = vector.broadcast %lt3A_370 : vector<64x1xi1> to vector<64x512xi1>
      %and3A_373 = arith.andi %and3A_371, %and3A_372 : vector<64x512xi1>
      %jit3A_374 = arith.constant 0xFF800000 : f32
      %broadcast_in_dim3A_375 = vector.broadcast %jit3A_374 : f32 to vector<64x512xf32>
      %select_n3A_376 = arith.select %and3A_373, %dot_general3A_98, %broadcast_in_dim3A_375 : vector<64x512xi1>, vector<64x512xf32>
      %reduce_max3A_377 = arith.constant dense<0xFF800000> : vector<64xf32>
      %reduce_max3A_378 = vector.multi_reduction <maximumf>, %select_n3A_376, %reduce_max3A_377 [1] : vector<64x512xf32> to vector<64xf32>
      %broadcast_in_dim3A_379 = vector.shape_cast %reduce_max3A_378 : vector<64xf32> to vector<64x1xf32>
      %eq3A_380 = vector.broadcast %broadcast_in_dim3A_379 : vector<64x1xf32> to vector<64x512xf32>
      %eq3A_381 = arith.cmpf oeq, %select_n3A_376, %eq3A_380 : vector<64x512xf32>
      %and3A_382 = arith.andi %and3A_373, %eq3A_381 : vector<64x512xi1>
      %and3A_383 = arith.andi %and3A_382, %and3A_321 : vector<64x512xi1>
      %convert_element_type3A_384 = arith.extui %and3A_383 : vector<64x512xi1> to vector<64x512xi32>
      %reduce_sum3A_385 = arith.constant dense<0> : vector<64xi32>
      %reduce_sum3A_386 = vector.multi_reduction <add>, %convert_element_type3A_384, %reduce_sum3A_385 [1] : vector<64x512xi32> to vector<64xi32>
      %broadcast_in_dim3A_387 = vector.shape_cast %reduce_sum3A_386 : vector<64xi32> to vector<64x1xi32>
      %eq3A_388 = arith.constant 1 : i32
      %eq3A_389 = vector.broadcast %eq3A_388 : i32 to vector<64x1xi32>
      %eq3A_390 = arith.cmpi eq, %broadcast_in_dim3A_387, %eq3A_389 : vector<64x1xi32>
      %and3A_391 = vector.broadcast %eq3A_390 : vector<64x1xi1> to vector<64x512xi1>
      %and3A_392 = arith.andi %and3A_383, %and3A_391 : vector<64x512xi1>
      %jit3A_393 = arith.constant 0 : i32
      %broadcast_in_dim3A_394 = vector.broadcast %jit3A_393 : i32 to vector<64x1xi32>
      %select_n3A_395 = arith.select %eq3A_390, %broadcast_in_dim3A_387, %broadcast_in_dim3A_394 : vector<64x1xi1>, vector<64x1xi32>
      %reduce_or3A_396 = arith.constant 1.000000e+00 : f32
      %reduce_or3A_397 = arith.constant 0.000000e+00 : f32
      %reduce_or3A_398 = vector.broadcast %reduce_or3A_396 : f32 to vector<64x512xf32>
      %reduce_or3A_399 = vector.broadcast %reduce_or3A_397 : f32 to vector<64x512xf32>
      %reduce_or3A_400 = arith.select %and3A_392, %reduce_or3A_398, %reduce_or3A_399 : vector<64x512xi1>, vector<64x512xf32>
      %reduce_or3A_401 = arith.constant dense<0xFF800000> : vector<512xf32>
      %reduce_or3A_402 = vector.multi_reduction <maximumf>, %reduce_or3A_400, %reduce_or3A_401 [0] : vector<64x512xf32> to vector<512xf32>
      %reduce_or3A_403 = arith.constant 0.000000e+00 : f32
      %reduce_or3A_404 = vector.broadcast %reduce_or3A_403 : f32 to vector<512xf32>
      %reduce_or3A_405 = arith.cmpf ogt, %reduce_or3A_402, %reduce_or3A_404 : vector<512xf32>
      %broadcast_in_dim3A_406 = vector.shape_cast %reduce_or3A_405 : vector<512xi1> to vector<1x512xi1>
      %select_n3A_407 = arith.select %broadcast_in_dim3A_406, %broadcast_in_dim3A_318, %select_n3A_363 : vector<1x512xi1>, vector<1x512xi32>
      %add3A_408 = arith.addi %add3A_364, %select_n3A_395 : vector<64x1xi32>
      %lt3A_409 = arith.constant 0 : i32
      %lt3A_410 = vector.broadcast %lt3A_409 : i32 to vector<1x512xi32>
      %lt3A_411 = arith.cmpi slt, %select_n3A_407, %lt3A_410 : vector<1x512xi32>
      %lt3A_412 = arith.constant 32 : i32
      %lt3A_413 = vector.broadcast %lt3A_412 : i32 to vector<64x1xi32>
      %lt3A_414 = arith.cmpi slt, %add3A_408, %lt3A_413 : vector<64x1xi32>
      %and3A_415 = vector.broadcast %lt3A_411 : vector<1x512xi1> to vector<64x512xi1>
      %and3A_416 = vector.broadcast %lt3A_414 : vector<64x1xi1> to vector<64x512xi1>
      %and3A_417 = arith.andi %and3A_415, %and3A_416 : vector<64x512xi1>
      %jit3A_418 = arith.constant 0xFF800000 : f32
      %broadcast_in_dim3A_419 = vector.broadcast %jit3A_418 : f32 to vector<64x512xf32>
      %select_n3A_420 = arith.select %and3A_417, %dot_general3A_98, %broadcast_in_dim3A_419 : vector<64x512xi1>, vector<64x512xf32>
      %reduce_max3A_421 = arith.constant dense<0xFF800000> : vector<64xf32>
      %reduce_max3A_422 = vector.multi_reduction <maximumf>, %select_n3A_420, %reduce_max3A_421 [1] : vector<64x512xf32> to vector<64xf32>
      %broadcast_in_dim3A_423 = vector.shape_cast %reduce_max3A_422 : vector<64xf32> to vector<64x1xf32>
      %eq3A_424 = vector.broadcast %broadcast_in_dim3A_423 : vector<64x1xf32> to vector<64x512xf32>
      %eq3A_425 = arith.cmpf oeq, %select_n3A_420, %eq3A_424 : vector<64x512xf32>
      %and3A_426 = arith.andi %and3A_417, %eq3A_425 : vector<64x512xi1>
      %and3A_427 = arith.andi %and3A_426, %and3A_321 : vector<64x512xi1>
      %convert_element_type3A_428 = arith.extui %and3A_427 : vector<64x512xi1> to vector<64x512xi32>
      %reduce_sum3A_429 = arith.constant dense<0> : vector<64xi32>
      %reduce_sum3A_430 = vector.multi_reduction <add>, %convert_element_type3A_428, %reduce_sum3A_429 [1] : vector<64x512xi32> to vector<64xi32>
      %broadcast_in_dim3A_431 = vector.shape_cast %reduce_sum3A_430 : vector<64xi32> to vector<64x1xi32>
      %eq3A_432 = arith.constant 1 : i32
      %eq3A_433 = vector.broadcast %eq3A_432 : i32 to vector<64x1xi32>
      %eq3A_434 = arith.cmpi eq, %broadcast_in_dim3A_431, %eq3A_433 : vector<64x1xi32>
      %and3A_435 = vector.broadcast %eq3A_434 : vector<64x1xi1> to vector<64x512xi1>
      %and3A_436 = arith.andi %and3A_427, %and3A_435 : vector<64x512xi1>
      %jit3A_437 = arith.constant 0 : i32
      %broadcast_in_dim3A_438 = vector.broadcast %jit3A_437 : i32 to vector<64x1xi32>
      %select_n3A_439 = arith.select %eq3A_434, %broadcast_in_dim3A_431, %broadcast_in_dim3A_438 : vector<64x1xi1>, vector<64x1xi32>
      %reduce_or3A_440 = arith.constant 1.000000e+00 : f32
      %reduce_or3A_441 = arith.constant 0.000000e+00 : f32
      %reduce_or3A_442 = vector.broadcast %reduce_or3A_440 : f32 to vector<64x512xf32>
      %reduce_or3A_443 = vector.broadcast %reduce_or3A_441 : f32 to vector<64x512xf32>
      %reduce_or3A_444 = arith.select %and3A_436, %reduce_or3A_442, %reduce_or3A_443 : vector<64x512xi1>, vector<64x512xf32>
      %reduce_or3A_445 = arith.constant dense<0xFF800000> : vector<512xf32>
      %reduce_or3A_446 = vector.multi_reduction <maximumf>, %reduce_or3A_444, %reduce_or3A_445 [0] : vector<64x512xf32> to vector<512xf32>
      %reduce_or3A_447 = arith.constant 0.000000e+00 : f32
      %reduce_or3A_448 = vector.broadcast %reduce_or3A_447 : f32 to vector<512xf32>
      %reduce_or3A_449 = arith.cmpf ogt, %reduce_or3A_446, %reduce_or3A_448 : vector<512xf32>
      %broadcast_in_dim3A_450 = vector.shape_cast %reduce_or3A_449 : vector<512xi1> to vector<1x512xi1>
      %select_n3A_451 = arith.select %broadcast_in_dim3A_450, %broadcast_in_dim3A_318, %select_n3A_407 : vector<1x512xi1>, vector<1x512xi32>
      %add3A_452 = arith.addi %add3A_408, %select_n3A_439 : vector<64x1xi32>
      %lt3A_453 = arith.constant 0 : i32
      %lt3A_454 = vector.broadcast %lt3A_453 : i32 to vector<1x512xi32>
      %lt3A_455 = arith.cmpi slt, %select_n3A_451, %lt3A_454 : vector<1x512xi32>
      %lt3A_456 = arith.constant 32 : i32
      %lt3A_457 = vector.broadcast %lt3A_456 : i32 to vector<64x1xi32>
      %lt3A_458 = arith.cmpi slt, %add3A_452, %lt3A_457 : vector<64x1xi32>
      %and3A_459 = vector.broadcast %lt3A_455 : vector<1x512xi1> to vector<64x512xi1>
      %and3A_460 = vector.broadcast %lt3A_458 : vector<64x1xi1> to vector<64x512xi1>
      %and3A_461 = arith.andi %and3A_459, %and3A_460 : vector<64x512xi1>
      %jit3A_462 = arith.constant 0xFF800000 : f32
      %broadcast_in_dim3A_463 = vector.broadcast %jit3A_462 : f32 to vector<64x512xf32>
      %select_n3A_464 = arith.select %and3A_461, %dot_general3A_98, %broadcast_in_dim3A_463 : vector<64x512xi1>, vector<64x512xf32>
      %reduce_max3A_465 = arith.constant dense<0xFF800000> : vector<64xf32>
      %reduce_max3A_466 = vector.multi_reduction <maximumf>, %select_n3A_464, %reduce_max3A_465 [1] : vector<64x512xf32> to vector<64xf32>
      %broadcast_in_dim3A_467 = vector.shape_cast %reduce_max3A_466 : vector<64xf32> to vector<64x1xf32>
      %eq3A_468 = vector.broadcast %broadcast_in_dim3A_467 : vector<64x1xf32> to vector<64x512xf32>
      %eq3A_469 = arith.cmpf oeq, %select_n3A_464, %eq3A_468 : vector<64x512xf32>
      %and3A_470 = arith.andi %and3A_461, %eq3A_469 : vector<64x512xi1>
      %and3A_471 = arith.andi %and3A_470, %and3A_321 : vector<64x512xi1>
      %jit3A_472 = arith.constant 2048 : i32
      %broadcast_in_dim3A_473 = vector.broadcast %jit3A_472 : i32 to vector<64x512xi32>
      %select_n3A_474 = arith.select %and3A_470, %broadcast_in_dim3A_109, %broadcast_in_dim3A_473 : vector<64x512xi1>, vector<64x512xi32>
      %reduce_min3A_475 = arith.constant dense<2147483647> : vector<64xi32>
      %reduce_min3A_476 = vector.multi_reduction <minsi>, %select_n3A_474, %reduce_min3A_475 [1] : vector<64x512xi32> to vector<64xi32>
      %broadcast_in_dim3A_477 = vector.shape_cast %reduce_min3A_476 : vector<64xi32> to vector<64x1xi32>
      %eq3A_478 = vector.broadcast %broadcast_in_dim3A_477 : vector<64x1xi32> to vector<64x512xi32>
      %eq3A_479 = arith.cmpi eq, %broadcast_in_dim3A_109, %eq3A_478 : vector<64x512xi32>
      %and3A_480 = arith.andi %and3A_471, %eq3A_479 : vector<64x512xi1>
      %convert_element_type3A_481 = arith.extui %and3A_480 : vector<64x512xi1> to vector<64x512xi32>
      %reduce_sum3A_482 = arith.constant dense<0> : vector<64xi32>
      %reduce_sum3A_483 = vector.multi_reduction <add>, %convert_element_type3A_481, %reduce_sum3A_482 [1] : vector<64x512xi32> to vector<64xi32>
      %broadcast_in_dim3A_484 = vector.shape_cast %reduce_sum3A_483 : vector<64xi32> to vector<64x1xi32>
      %reduce_or3A_485 = arith.constant 1.000000e+00 : f32
      %reduce_or3A_486 = arith.constant 0.000000e+00 : f32
      %reduce_or3A_487 = vector.broadcast %reduce_or3A_485 : f32 to vector<64x512xf32>
      %reduce_or3A_488 = vector.broadcast %reduce_or3A_486 : f32 to vector<64x512xf32>
      %reduce_or3A_489 = arith.select %and3A_480, %reduce_or3A_487, %reduce_or3A_488 : vector<64x512xi1>, vector<64x512xf32>
      %reduce_or3A_490 = arith.constant dense<0xFF800000> : vector<512xf32>
      %reduce_or3A_491 = vector.multi_reduction <maximumf>, %reduce_or3A_489, %reduce_or3A_490 [0] : vector<64x512xf32> to vector<512xf32>
      %reduce_or3A_492 = arith.constant 0.000000e+00 : f32
      %reduce_or3A_493 = vector.broadcast %reduce_or3A_492 : f32 to vector<512xf32>
      %reduce_or3A_494 = arith.cmpf ogt, %reduce_or3A_491, %reduce_or3A_493 : vector<512xf32>
      %broadcast_in_dim3A_495 = vector.shape_cast %reduce_or3A_494 : vector<512xi1> to vector<1x512xi1>
      %select_n3A_496 = arith.select %broadcast_in_dim3A_495, %broadcast_in_dim3A_318, %select_n3A_451 : vector<1x512xi1>, vector<1x512xi32>
      %add3A_497 = arith.addi %add3A_452, %broadcast_in_dim3A_484 : vector<64x1xi32>
      scf.yield %select_n3A_496, %add3A_497 : vector<1x512xi32>, vector<64x1xi32>
    }
    %convert_element_type3A_114 = arith.sitofp %while3A_113#0 : vector<1x512xi32> to vector<1x512xf32>
    %dot_general3A_115 = arith.constant dense<0.000000e+00> : vector<1x2048xf32>
    %dot_general3A_116 = tpu.matmul %convert_element_type3A_114, %convert_element_type3A_96, %dot_general3A_115 {dimension_numbers = #tpu.dot_dimension_numbers<[1], [0], [0], [1], [0, 0, 1, 1], [], []>, precision = #tpu.contract_precision<fp32>, transpose_lhs_hint = false} : vector<1x512xf32>, vector<512x2048xf32>, vector<1x2048xf32> -> vector<1x2048xf32>
    %convert_element_type3A_117 = arith.fptosi %dot_general3A_116 : vector<1x2048xf32> to vector<1x2048xi32>
    %select_n3A_118 = arith.select %lt3A_20, %convert_element_type3A_117, %while3A#0 : vector<1x2048xi1>, vector<1x2048xi32>
    %eq3A_119 = vector.broadcast %select_n3A_118 : vector<1x2048xi32> to vector<64x2048xi32>
    %eq3A_120 = arith.cmpi eq, %iota3A, %eq3A_119 : vector<64x2048xi32>
    %convert_element_type3A_121 = arith.extui %eq3A_120 : vector<64x2048xi1> to vector<64x2048xi32>
    %convert_element_type3A_122 = arith.sitofp %convert_element_type3A_121 : vector<64x2048xi32> to vector<64x2048xf32>
    %broadcast_in_dim3A_123 = arith.constant 0.000000e+00 : f32
    %broadcast_in_dim3A_124 = vector.broadcast %broadcast_in_dim3A_123 : f32 to vector<64x1xf32>
    %slice3A_125 = vector.extract_strided_slice %convert_element_type3A_122 {offsets = [0, 0], sizes = [64, 256], strides = [1, 1]} : vector<64x2048xf32> to vector<64x256xf32>
    %dot_general3A_126 = arith.constant dense<0.000000e+00> : vector<64x256xf32>
    %dot_general3A_127 = tpu.matmul %slice3A_125, %convert_element_type3A_17, %dot_general3A_126 {dimension_numbers = #tpu.dot_dimension_numbers<[1], [0], [0], [1], [0, 0, 1, 1], [], []>, precision = #tpu.contract_precision<fp32>, transpose_lhs_hint = false} : vector<64x256xf32>, vector<256x256xf32>, vector<64x256xf32> -> vector<64x256xf32>
    %add3A_128 = vector.broadcast %broadcast_in_dim3A_124 : vector<64x1xf32> to vector<64x256xf32>
    %add3A_129 = arith.addf %dot_general3A_127, %add3A_128 : vector<64x256xf32>
    %mul3A = arith.mulf %slice3A_125, %add3A_129 : vector<64x256xf32>
    %reduce_sum3A_130 = arith.constant dense<0.000000e+00> : vector<256xf32>
    %reduce_sum3A_131 = vector.multi_reduction <add>, %mul3A, %reduce_sum3A_130 [0] : vector<64x256xf32> to vector<256xf32>
    %broadcast_in_dim3A_132 = vector.shape_cast %reduce_sum3A_131 : vector<256xf32> to vector<1x256xf32>
    %slice3A_133 = vector.extract_strided_slice %select_n3A_118 {offsets = [0, 0], sizes = [1, 256], strides = [1, 1]} : vector<1x2048xi32> to vector<1x256xi32>
    %mul3A_134 = arith.constant 32 : i32
    %mul3A_135 = vector.broadcast %mul3A_134 : i32 to vector<1x256xi32>
    %mul3A_136 = arith.muli %slice3A_133, %mul3A_135 : vector<1x256xi32>
    %convert_element_type3A_137 = arith.fptosi %broadcast_in_dim3A_132 : vector<1x256xf32> to vector<1x256xi32>
    %add3A_138 = arith.addi %mul3A_136, %convert_element_type3A_137 : vector<1x256xi32>
    %swap3A = arith.constant 0 : index
    %swap3A_139 = arith.constant 0 : index
    %swap3A_140 = vector.load %arg2[%swap3A, %swap3A_139] : memref<1x2048xi32, #tpu.memory_space<vmem>>, vector<1x256xi32>
    tpu.vector_store %arg2[%swap3A, %swap3A_139], %add3A_138 {strides = array<i32>} : memref<1x2048xi32, #tpu.memory_space<vmem>>, vector<1x256xi32>,
    %reduce_sum3A_141 = arith.constant dense<0.000000e+00> : vector<64xf32>
    %reduce_sum3A_142 = vector.multi_reduction <add>, %slice3A_125, %reduce_sum3A_141 [1] : vector<64x256xf32> to vector<64xf32>
    %broadcast_in_dim3A_143 = vector.shape_cast %reduce_sum3A_142 : vector<64xf32> to vector<64x1xf32>
    %add3A_144 = arith.addf %broadcast_in_dim3A_124, %broadcast_in_dim3A_143 : vector<64x1xf32>
    %slice3A_145 = vector.extract_strided_slice %convert_element_type3A_122 {offsets = [0, 256], sizes = [64, 256], strides = [1, 1]} : vector<64x2048xf32> to vector<64x256xf32>
    %dot_general3A_146 = arith.constant dense<0.000000e+00> : vector<64x256xf32>
    %dot_general3A_147 = tpu.matmul %slice3A_145, %convert_element_type3A_17, %dot_general3A_146 {dimension_numbers = #tpu.dot_dimension_numbers<[1], [0], [0], [1], [0, 0, 1, 1], [], []>, precision = #tpu.contract_precision<fp32>, transpose_lhs_hint = false} : vector<64x256xf32>, vector<256x256xf32>, vector<64x256xf32> -> vector<64x256xf32>
    %add3A_148 = vector.broadcast %add3A_144 : vector<64x1xf32> to vector<64x256xf32>
    %add3A_149 = arith.addf %dot_general3A_147, %add3A_148 : vector<64x256xf32>
    %mul3A_150 = arith.mulf %slice3A_145, %add3A_149 : vector<64x256xf32>
    %reduce_sum3A_151 = arith.constant dense<0.000000e+00> : vector<256xf32>
    %reduce_sum3A_152 = vector.multi_reduction <add>, %mul3A_150, %reduce_sum3A_151 [0] : vector<64x256xf32> to vector<256xf32>
    %broadcast_in_dim3A_153 = vector.shape_cast %reduce_sum3A_152 : vector<256xf32> to vector<1x256xf32>
    %slice3A_154 = vector.extract_strided_slice %select_n3A_118 {offsets = [0, 256], sizes = [1, 256], strides = [1, 1]} : vector<1x2048xi32> to vector<1x256xi32>
    %mul3A_155 = arith.constant 32 : i32
    %mul3A_156 = vector.broadcast %mul3A_155 : i32 to vector<1x256xi32>
    %mul3A_157 = arith.muli %slice3A_154, %mul3A_156 : vector<1x256xi32>
    %convert_element_type3A_158 = arith.fptosi %broadcast_in_dim3A_153 : vector<1x256xf32> to vector<1x256xi32>
    %add3A_159 = arith.addi %mul3A_157, %convert_element_type3A_158 : vector<1x256xi32>
    %swap3A_160 = arith.constant 0 : index
    %swap3A_161 = arith.constant 256 : index
    %swap3A_162 = vector.load %arg2[%swap3A_160, %swap3A_161] : memref<1x2048xi32, #tpu.memory_space<vmem>>, vector<1x256xi32>
    tpu.vector_store %arg2[%swap3A_160, %swap3A_161], %add3A_159 {strides = array<i32>} : memref<1x2048xi32, #tpu.memory_space<vmem>>, vector<1x256xi32>,
    %reduce_sum3A_163 = arith.constant dense<0.000000e+00> : vector<64xf32>
    %reduce_sum3A_164 = vector.multi_reduction <add>, %slice3A_145, %reduce_sum3A_163 [1] : vector<64x256xf32> to vector<64xf32>
    %broadcast_in_dim3A_165 = vector.shape_cast %reduce_sum3A_164 : vector<64xf32> to vector<64x1xf32>
    %add3A_166 = arith.addf %add3A_144, %broadcast_in_dim3A_165 : vector<64x1xf32>
    %slice3A_167 = vector.extract_strided_slice %convert_element_type3A_122 {offsets = [0, 512], sizes = [64, 256], strides = [1, 1]} : vector<64x2048xf32> to vector<64x256xf32>
    %dot_general3A_168 = arith.constant dense<0.000000e+00> : vector<64x256xf32>
    %dot_general3A_169 = tpu.matmul %slice3A_167, %convert_element_type3A_17, %dot_general3A_168 {dimension_numbers = #tpu.dot_dimension_numbers<[1], [0], [0], [1], [0, 0, 1, 1], [], []>, precision = #tpu.contract_precision<fp32>, transpose_lhs_hint = false} : vector<64x256xf32>, vector<256x256xf32>, vector<64x256xf32> -> vector<64x256xf32>
    %add3A_170 = vector.broadcast %add3A_166 : vector<64x1xf32> to vector<64x256xf32>
    %add3A_171 = arith.addf %dot_general3A_169, %add3A_170 : vector<64x256xf32>
    %mul3A_172 = arith.mulf %slice3A_167, %add3A_171 : vector<64x256xf32>
    %reduce_sum3A_173 = arith.constant dense<0.000000e+00> : vector<256xf32>
    %reduce_sum3A_174 = vector.multi_reduction <add>, %mul3A_172, %reduce_sum3A_173 [0] : vector<64x256xf32> to vector<256xf32>
    %broadcast_in_dim3A_175 = vector.shape_cast %reduce_sum3A_174 : vector<256xf32> to vector<1x256xf32>
    %slice3A_176 = vector.extract_strided_slice %select_n3A_118 {offsets = [0, 512], sizes = [1, 256], strides = [1, 1]} : vector<1x2048xi32> to vector<1x256xi32>
    %mul3A_177 = arith.constant 32 : i32
    %mul3A_178 = vector.broadcast %mul3A_177 : i32 to vector<1x256xi32>
    %mul3A_179 = arith.muli %slice3A_176, %mul3A_178 : vector<1x256xi32>
    %convert_element_type3A_180 = arith.fptosi %broadcast_in_dim3A_175 : vector<1x256xf32> to vector<1x256xi32>
    %add3A_181 = arith.addi %mul3A_179, %convert_element_type3A_180 : vector<1x256xi32>
    %swap3A_182 = arith.constant 0 : index
    %swap3A_183 = arith.constant 512 : index
    %swap3A_184 = vector.load %arg2[%swap3A_182, %swap3A_183] : memref<1x2048xi32, #tpu.memory_space<vmem>>, vector<1x256xi32>
    tpu.vector_store %arg2[%swap3A_182, %swap3A_183], %add3A_181 {strides = array<i32>} : memref<1x2048xi32, #tpu.memory_space<vmem>>, vector<1x256xi32>,
    %reduce_sum3A_185 = arith.constant dense<0.000000e+00> : vector<64xf32>
    %reduce_sum3A_186 = vector.multi_reduction <add>, %slice3A_167, %reduce_sum3A_185 [1] : vector<64x256xf32> to vector<64xf32>
    %broadcast_in_dim3A_187 = vector.shape_cast %reduce_sum3A_186 : vector<64xf32> to vector<64x1xf32>
    %add3A_188 = arith.addf %add3A_166, %broadcast_in_dim3A_187 : vector<64x1xf32>
    %slice3A_189 = vector.extract_strided_slice %convert_element_type3A_122 {offsets = [0, 768], sizes = [64, 256], strides = [1, 1]} : vector<64x2048xf32> to vector<64x256xf32>
    %dot_general3A_190 = arith.constant dense<0.000000e+00> : vector<64x256xf32>
    %dot_general3A_191 = tpu.matmul %slice3A_189, %convert_element_type3A_17, %dot_general3A_190 {dimension_numbers = #tpu.dot_dimension_numbers<[1], [0], [0], [1], [0, 0, 1, 1], [], []>, precision = #tpu.contract_precision<fp32>, transpose_lhs_hint = false} : vector<64x256xf32>, vector<256x256xf32>, vector<64x256xf32> -> vector<64x256xf32>
    %add3A_192 = vector.broadcast %add3A_188 : vector<64x1xf32> to vector<64x256xf32>
    %add3A_193 = arith.addf %dot_general3A_191, %add3A_192 : vector<64x256xf32>
    %mul3A_194 = arith.mulf %slice3A_189, %add3A_193 : vector<64x256xf32>
    %reduce_sum3A_195 = arith.constant dense<0.000000e+00> : vector<256xf32>
    %reduce_sum3A_196 = vector.multi_reduction <add>, %mul3A_194, %reduce_sum3A_195 [0] : vector<64x256xf32> to vector<256xf32>
    %broadcast_in_dim3A_197 = vector.shape_cast %reduce_sum3A_196 : vector<256xf32> to vector<1x256xf32>
    %slice3A_198 = vector.extract_strided_slice %select_n3A_118 {offsets = [0, 768], sizes = [1, 256], strides = [1, 1]} : vector<1x2048xi32> to vector<1x256xi32>
    %mul3A_199 = arith.constant 32 : i32
    %mul3A_200 = vector.broadcast %mul3A_199 : i32 to vector<1x256xi32>
    %mul3A_201 = arith.muli %slice3A_198, %mul3A_200 : vector<1x256xi32>
    %convert_element_type3A_202 = arith.fptosi %broadcast_in_dim3A_197 : vector<1x256xf32> to vector<1x256xi32>
    %add3A_203 = arith.addi %mul3A_201, %convert_element_type3A_202 : vector<1x256xi32>
    %swap3A_204 = arith.constant 0 : index
    %swap3A_205 = arith.constant 768 : index
    %swap3A_206 = vector.load %arg2[%swap3A_204, %swap3A_205] : memref<1x2048xi32, #tpu.memory_space<vmem>>, vector<1x256xi32>
    tpu.vector_store %arg2[%swap3A_204, %swap3A_205], %add3A_203 {strides = array<i32>} : memref<1x2048xi32, #tpu.memory_space<vmem>>, vector<1x256xi32>,
    %reduce_sum3A_207 = arith.constant dense<0.000000e+00> : vector<64xf32>
    %reduce_sum3A_208 = vector.multi_reduction <add>, %slice3A_189, %reduce_sum3A_207 [1] : vector<64x256xf32> to vector<64xf32>
    %broadcast_in_dim3A_209 = vector.shape_cast %reduce_sum3A_208 : vector<64xf32> to vector<64x1xf32>
    %add3A_210 = arith.addf %add3A_188, %broadcast_in_dim3A_209 : vector<64x1xf32>
    %slice3A_211 = vector.extract_strided_slice %convert_element_type3A_122 {offsets = [0, 1024], sizes = [64, 256], strides = [1, 1]} : vector<64x2048xf32> to vector<64x256xf32>
    %dot_general3A_212 = arith.constant dense<0.000000e+00> : vector<64x256xf32>
    %dot_general3A_213 = tpu.matmul %slice3A_211, %convert_element_type3A_17, %dot_general3A_212 {dimension_numbers = #tpu.dot_dimension_numbers<[1], [0], [0], [1], [0, 0, 1, 1], [], []>, precision = #tpu.contract_precision<fp32>, transpose_lhs_hint = false} : vector<64x256xf32>, vector<256x256xf32>, vector<64x256xf32> -> vector<64x256xf32>
    %add3A_214 = vector.broadcast %add3A_210 : vector<64x1xf32> to vector<64x256xf32>
    %add3A_215 = arith.addf %dot_general3A_213, %add3A_214 : vector<64x256xf32>
    %mul3A_216 = arith.mulf %slice3A_211, %add3A_215 : vector<64x256xf32>
    %reduce_sum3A_217 = arith.constant dense<0.000000e+00> : vector<256xf32>
    %reduce_sum3A_218 = vector.multi_reduction <add>, %mul3A_216, %reduce_sum3A_217 [0] : vector<64x256xf32> to vector<256xf32>
    %broadcast_in_dim3A_219 = vector.shape_cast %reduce_sum3A_218 : vector<256xf32> to vector<1x256xf32>
    %slice3A_220 = vector.extract_strided_slice %select_n3A_118 {offsets = [0, 1024], sizes = [1, 256], strides = [1, 1]} : vector<1x2048xi32> to vector<1x256xi32>
    %mul3A_221 = arith.constant 32 : i32
    %mul3A_222 = vector.broadcast %mul3A_221 : i32 to vector<1x256xi32>
    %mul3A_223 = arith.muli %slice3A_220, %mul3A_222 : vector<1x256xi32>
    %convert_element_type3A_224 = arith.fptosi %broadcast_in_dim3A_219 : vector<1x256xf32> to vector<1x256xi32>
    %add3A_225 = arith.addi %mul3A_223, %convert_element_type3A_224 : vector<1x256xi32>
    %swap3A_226 = arith.constant 0 : index
    %swap3A_227 = arith.constant 1024 : index
    %swap3A_228 = vector.load %arg2[%swap3A_226, %swap3A_227] : memref<1x2048xi32, #tpu.memory_space<vmem>>, vector<1x256xi32>
    tpu.vector_store %arg2[%swap3A_226, %swap3A_227], %add3A_225 {strides = array<i32>} : memref<1x2048xi32, #tpu.memory_space<vmem>>, vector<1x256xi32>,
    %reduce_sum3A_229 = arith.constant dense<0.000000e+00> : vector<64xf32>
    %reduce_sum3A_230 = vector.multi_reduction <add>, %slice3A_211, %reduce_sum3A_229 [1] : vector<64x256xf32> to vector<64xf32>
    %broadcast_in_dim3A_231 = vector.shape_cast %reduce_sum3A_230 : vector<64xf32> to vector<64x1xf32>
    %add3A_232 = arith.addf %add3A_210, %broadcast_in_dim3A_231 : vector<64x1xf32>
    %slice3A_233 = vector.extract_strided_slice %convert_element_type3A_122 {offsets = [0, 1280], sizes = [64, 256], strides = [1, 1]} : vector<64x2048xf32> to vector<64x256xf32>
    %dot_general3A_234 = arith.constant dense<0.000000e+00> : vector<64x256xf32>
    %dot_general3A_235 = tpu.matmul %slice3A_233, %convert_element_type3A_17, %dot_general3A_234 {dimension_numbers = #tpu.dot_dimension_numbers<[1], [0], [0], [1], [0, 0, 1, 1], [], []>, precision = #tpu.contract_precision<fp32>, transpose_lhs_hint = false} : vector<64x256xf32>, vector<256x256xf32>, vector<64x256xf32> -> vector<64x256xf32>
    %add3A_236 = vector.broadcast %add3A_232 : vector<64x1xf32> to vector<64x256xf32>
    %add3A_237 = arith.addf %dot_general3A_235, %add3A_236 : vector<64x256xf32>
    %mul3A_238 = arith.mulf %slice3A_233, %add3A_237 : vector<64x256xf32>
    %reduce_sum3A_239 = arith.constant dense<0.000000e+00> : vector<256xf32>
    %reduce_sum3A_240 = vector.multi_reduction <add>, %mul3A_238, %reduce_sum3A_239 [0] : vector<64x256xf32> to vector<256xf32>
    %broadcast_in_dim3A_241 = vector.shape_cast %reduce_sum3A_240 : vector<256xf32> to vector<1x256xf32>
    %slice3A_242 = vector.extract_strided_slice %select_n3A_118 {offsets = [0, 1280], sizes = [1, 256], strides = [1, 1]} : vector<1x2048xi32> to vector<1x256xi32>
    %mul3A_243 = arith.constant 32 : i32
    %mul3A_244 = vector.broadcast %mul3A_243 : i32 to vector<1x256xi32>
    %mul3A_245 = arith.muli %slice3A_242, %mul3A_244 : vector<1x256xi32>
    %convert_element_type3A_246 = arith.fptosi %broadcast_in_dim3A_241 : vector<1x256xf32> to vector<1x256xi32>
    %add3A_247 = arith.addi %mul3A_245, %convert_element_type3A_246 : vector<1x256xi32>
    %swap3A_248 = arith.constant 0 : index
    %swap3A_249 = arith.constant 1280 : index
    %swap3A_250 = vector.load %arg2[%swap3A_248, %swap3A_249] : memref<1x2048xi32, #tpu.memory_space<vmem>>, vector<1x256xi32>
    tpu.vector_store %arg2[%swap3A_248, %swap3A_249], %add3A_247 {strides = array<i32>} : memref<1x2048xi32, #tpu.memory_space<vmem>>, vector<1x256xi32>,
    %reduce_sum3A_251 = arith.constant dense<0.000000e+00> : vector<64xf32>
    %reduce_sum3A_252 = vector.multi_reduction <add>, %slice3A_233, %reduce_sum3A_251 [1] : vector<64x256xf32> to vector<64xf32>
    %broadcast_in_dim3A_253 = vector.shape_cast %reduce_sum3A_252 : vector<64xf32> to vector<64x1xf32>
    %add3A_254 = arith.addf %add3A_232, %broadcast_in_dim3A_253 : vector<64x1xf32>
    %slice3A_255 = vector.extract_strided_slice %convert_element_type3A_122 {offsets = [0, 1536], sizes = [64, 256], strides = [1, 1]} : vector<64x2048xf32> to vector<64x256xf32>
    %dot_general3A_256 = arith.constant dense<0.000000e+00> : vector<64x256xf32>
    %dot_general3A_257 = tpu.matmul %slice3A_255, %convert_element_type3A_17, %dot_general3A_256 {dimension_numbers = #tpu.dot_dimension_numbers<[1], [0], [0], [1], [0, 0, 1, 1], [], []>, precision = #tpu.contract_precision<fp32>, transpose_lhs_hint = false} : vector<64x256xf32>, vector<256x256xf32>, vector<64x256xf32> -> vector<64x256xf32>
    %add3A_258 = vector.broadcast %add3A_254 : vector<64x1xf32> to vector<64x256xf32>
    %add3A_259 = arith.addf %dot_general3A_257, %add3A_258 : vector<64x256xf32>
    %mul3A_260 = arith.mulf %slice3A_255, %add3A_259 : vector<64x256xf32>
    %reduce_sum3A_261 = arith.constant dense<0.000000e+00> : vector<256xf32>
    %reduce_sum3A_262 = vector.multi_reduction <add>, %mul3A_260, %reduce_sum3A_261 [0] : vector<64x256xf32> to vector<256xf32>
    %broadcast_in_dim3A_263 = vector.shape_cast %reduce_sum3A_262 : vector<256xf32> to vector<1x256xf32>
    %slice3A_264 = vector.extract_strided_slice %select_n3A_118 {offsets = [0, 1536], sizes = [1, 256], strides = [1, 1]} : vector<1x2048xi32> to vector<1x256xi32>
    %mul3A_265 = arith.constant 32 : i32
    %mul3A_266 = vector.broadcast %mul3A_265 : i32 to vector<1x256xi32>
    %mul3A_267 = arith.muli %slice3A_264, %mul3A_266 : vector<1x256xi32>
    %convert_element_type3A_268 = arith.fptosi %broadcast_in_dim3A_263 : vector<1x256xf32> to vector<1x256xi32>
    %add3A_269 = arith.addi %mul3A_267, %convert_element_type3A_268 : vector<1x256xi32>
    %swap3A_270 = arith.constant 0 : index
    %swap3A_271 = arith.constant 1536 : index
    %swap3A_272 = vector.load %arg2[%swap3A_270, %swap3A_271] : memref<1x2048xi32, #tpu.memory_space<vmem>>, vector<1x256xi32>
    tpu.vector_store %arg2[%swap3A_270, %swap3A_271], %add3A_269 {strides = array<i32>} : memref<1x2048xi32, #tpu.memory_space<vmem>>, vector<1x256xi32>,
    %reduce_sum3A_273 = arith.constant dense<0.000000e+00> : vector<64xf32>
    %reduce_sum3A_274 = vector.multi_reduction <add>, %slice3A_255, %reduce_sum3A_273 [1] : vector<64x256xf32> to vector<64xf32>
    %broadcast_in_dim3A_275 = vector.shape_cast %reduce_sum3A_274 : vector<64xf32> to vector<64x1xf32>
    %add3A_276 = arith.addf %add3A_254, %broadcast_in_dim3A_275 : vector<64x1xf32>
    %slice3A_277 = vector.extract_strided_slice %convert_element_type3A_122 {offsets = [0, 1792], sizes = [64, 256], strides = [1, 1]} : vector<64x2048xf32> to vector<64x256xf32>
    %dot_general3A_278 = arith.constant dense<0.000000e+00> : vector<64x256xf32>
    %dot_general3A_279 = tpu.matmul %slice3A_277, %convert_element_type3A_17, %dot_general3A_278 {dimension_numbers = #tpu.dot_dimension_numbers<[1], [0], [0], [1], [0, 0, 1, 1], [], []>, precision = #tpu.contract_precision<fp32>, transpose_lhs_hint = false} : vector<64x256xf32>, vector<256x256xf32>, vector<64x256xf32> -> vector<64x256xf32>
    %add3A_280 = vector.broadcast %add3A_276 : vector<64x1xf32> to vector<64x256xf32>
    %add3A_281 = arith.addf %dot_general3A_279, %add3A_280 : vector<64x256xf32>
    %mul3A_282 = arith.mulf %slice3A_277, %add3A_281 : vector<64x256xf32>
    %reduce_sum3A_283 = arith.constant dense<0.000000e+00> : vector<256xf32>
    %reduce_sum3A_284 = vector.multi_reduction <add>, %mul3A_282, %reduce_sum3A_283 [0] : vector<64x256xf32> to vector<256xf32>
    %broadcast_in_dim3A_285 = vector.shape_cast %reduce_sum3A_284 : vector<256xf32> to vector<1x256xf32>
    %slice3A_286 = vector.extract_strided_slice %select_n3A_118 {offsets = [0, 1792], sizes = [1, 256], strides = [1, 1]} : vector<1x2048xi32> to vector<1x256xi32>
    %mul3A_287 = arith.constant 32 : i32
    %mul3A_288 = vector.broadcast %mul3A_287 : i32 to vector<1x256xi32>
    %mul3A_289 = arith.muli %slice3A_286, %mul3A_288 : vector<1x256xi32>
    %convert_element_type3A_290 = arith.fptosi %broadcast_in_dim3A_285 : vector<1x256xf32> to vector<1x256xi32>
    %add3A_291 = arith.addi %mul3A_289, %convert_element_type3A_290 : vector<1x256xi32>
    %swap3A_292 = arith.constant 0 : index
    %swap3A_293 = arith.constant 1792 : index
    %swap3A_294 = vector.load %arg2[%swap3A_292, %swap3A_293] : memref<1x2048xi32, #tpu.memory_space<vmem>>, vector<1x256xi32>
    tpu.vector_store %arg2[%swap3A_292, %swap3A_293], %add3A_291 {strides = array<i32>} : memref<1x2048xi32, #tpu.memory_space<vmem>>, vector<1x256xi32>,
    return
  }
}

</mosaic_0001>

<sc_bundles>
// kernel: kernel.5.cloned.1.call-start
scs
__scs_entry_jumppad:
0x0: {  	(pc) =	sbr.rel $0x88, $3  }
0x1: {  	(tag) =	ssettag $0x0;
	lr =	simm.s32 $0x1  }
0x2: {  	[smem:$0x3F9F] =	sst lr;
	_ =	strace $0xD0000000  }
0x3: {  	_ = 	snop  }
0x4: {  	_ = 	snop  }
0x5: {  	_ = 	snop  }
0x6: {  	_ = 	snop  }
0x7: {  	_ = 	snop  }
__scs_overlays_trampoline_lowered:
0x8: {  	[smem:$0x3FAE] =	sst s0  }
0x9: {  	[smem:$0x3FAF] =	sst s1  }
0xa: {  	[smem:$0x3FB0] =	sst s2  }
0xb: {  	[smem:$0x3FB1] =	sst s3  }
0xc: {  	[smem:$0x3FB2] =	sst s4  }
0xd: {  	[smem:$0x3FB3] =	sst s5  }
0xe: {  	[smem:$0x3FB4] =	sst s6  }
0xf: {  	[smem:$0x3FB5] =	sst s7  }
0x10: {  	[smem:$0x3FB6] =	sst s8  }
0x11: {  	[smem:$0x3FB7] =	sst s9;
	s0 =	simm.s32 @!p0 $0x0  }
0x12: {  	s1 =	sld [smem:$0x3F9D];
	s0 =	simm.s32 @p0 $0x1  }
0x13: {  	[smem:$0x3FB8] =	sst s0;
	s0 =	simm.s32 @!p1 $0x0  }
0x14: {  	s2 =	sld [smem:$0x3F9C];
	s0 =	simm.s32 @p1 $0x1  }
0x15: {  	[smem:$0x3FB9] =	sst s0;
	s0 =	simm.s32 @!p2 $0x0  }
0x16: {  	s3 =	sld [smem:$0x3FDB];
	s0 =	simm.s32 @p2 $0x1  }
0x17: {  	s4 =	simm.s32 $0x1BF5;
	[smem:$0x3FBB] =	sst s0  }
0x18: {  	s0 =	sld [smem:$0x3F9E];
	_ =	swait.ge [sflag:s4], $0x0  }
0x19: {  	s7 =	sld [smem:$0x3F9F]  }
0x1a: {  	s8 =	sadd.s32 $0xFFFFE003, lr  }
0x1b: {  	s9 =	sadd.s32 $0xFFFFFEF7, lr;
	s5 =	simm.s32 $0xFFFFFFFF;
	p2 =	slt.u32 s8, $0xFFFFF086  }
0x1c: {  	p1 =	slt.u32 s9, $0xF7A;
	s5 =	simm.s32 @!p2 $0x0  }
0x1d: {  	s5 =	simm.s32 @p1 $0x1;
	p0 =	seq.s32 s7, s2  }
0x1e: {  	s7 =	smul.u32 @!p0 $0xF7A, s2;
	p2 =	seq.s32 @!p0 s5, $0x0  }
0x1f: {  	s9 =	smul.u32 $0xF7A, s1;
	s8 =	simm.s32 @!p0 $0x1BF5;
	p2 =	por !p2, p0  }
0x20: {  	[sflag:s8] =	ssyncset.s32 @!p0 $0xFFFFF086;
	s6 =	sadd.s32 @!p0 s3, s7;
	s7 =	simm.s32 @!p0 $0x108  }
0x21: {  	s3 =	sadd.s32 s3, s9;
	s6 =	sadd.s32 @!p0 $0x88, s6;
	s7 =	simm.s32 @p2 $0x1082  }
0x22: {  	[simem:s7], [sflag:s8] =	dma.local @!p0 [hbm:s6], $0xF7A  }
0x23: {  	s9 =	sor.u32 $0xD0000000, s2;
	s6 =	simm.s32 $0x108;
	_ =	swait.ge @!p0 [sflag:s8], $0x0  }
0x24: {  	s3 =	sadd.s32 $0x88, s3;
	s6 =	simm.s32 @!p1 $0x1082;
	[sflag:s4] =	ssyncset.s32 $0xFFFFF086  }
0x25: {  	[simem:s6], [sflag:s4] =	dma.local [hbm:s3], $0xF7A  }
0x26: {  	[smem:$0x3F9F] =	sst s1;
	(tag) =	ssettag s2;
	_ =	strace s9  }
0x27: {  	s1 =	sld [smem:$0x3FAF]  }
0x28: {  	s2 =	sld [smem:$0x3FB0]  }
0x29: {  	s4 =	sld [smem:$0x3FB2]  }
0x2a: {  	p0 =	seq.s32 s5, $0x0;
	s5 =	sld [smem:$0x3FB3]  }
0x2b: {  	s6 =	sld [smem:$0x3FB4]  }
0x2c: {  	s7 =	sld [smem:$0x3FB5]  }
0x2d: {  	s3 =	simm.s32 $0x108;
	s8 =	sld [smem:$0x3FB6]  }
0x2e: {  	s3 =	simm.s32 @!p0 $0x1082;
	s9 =	sld [smem:$0x3FB7]  }
0x2f: {  	lr =	sadd.s32 s0, s3;
	s0 =	sld [smem:$0x3FAE]  }
0x30: {  	s3 =	sld [smem:$0x3FB1]  }
0x31: {  	[smem:$0x3FBA] =	sst s10  }
0x32: {  	s10 =	sld [smem:$0x3FB8];
	_ =	sdelay $0x3  }
0x33: {  	p0 =	seq.s32 s10, $0x1;
	s10 =	sld [smem:$0x3FBA];
	_ =	sdelay $0x3  }
0x34: {  	[smem:$0x3FBA] =	sst s10  }
0x35: {  	s10 =	sld [smem:$0x3FB9];
	_ =	sdelay $0x3  }
0x36: {  	p1 =	seq.s32 s10, $0x1;
	s10 =	sld [smem:$0x3FBA];
	_ =	sdelay $0x3  }
0x37: {  	[smem:$0x3FBA] =	sst s10  }
0x38: {  	s10 =	sld [smem:$0x3FBB]  }
0x39: {  	_ = 	snop;
	(pc) =	sbr.ind lr, $3  }
0x3a: {  	_ = 	snop  }
0x3b: {  	_ = 	snop  }
0x3c: {  	p2 =	seq.s32 s10, $0x1;
	s10 =	sld [smem:$0x3FBA]  }
0x3d: {  	_ =	shalt  }
0x3e: {  	_ =	shalt  }
0x3f: {  	_ =	shalt  }
0x40: {  	_ =	shalt  }
0x41: {  	_ =	shalt  }
0x42: {  	_ =	shalt  }
0x43: {  	_ =	shalt  }
0x44: {  	_ =	shalt  }
0x45: {  	_ =	shalt  }
0x46: {  	_ =	shalt  }
0x47: {  	_ =	shalt  }
0x48: {  	_ =	shalt  }
0x49: {  	_ =	shalt  }
0x4a: {  	_ =	shalt  }
0x4b: {  	_ =	shalt  }
0x4c: {  	_ =	shalt  }
0x4d: {  	_ =	shalt  }
0x4e: {  	_ =	shalt  }
0x4f: {  	_ =	shalt  }
0x50: {  	_ =	shalt  }
0x51: {  	_ =	shalt  }
0x52: {  	_ =	shalt  }
0x53: {  	_ =	shalt  }
0x54: {  	_ =	shalt  }
0x55: {  	_ =	shalt  }
0x56: {  	_ =	shalt  }
0x57: {  	_ =	shalt  }
0x58: {  	_ =	shalt  }
0x59: {  	_ =	shalt  }
0x5a: {  	_ =	shalt  }
0x5b: {  	_ =	shalt  }
0x5c: {  	_ =	shalt  }
0x5d: {  	_ =	shalt  }
0x5e: {  	_ =	shalt  }
0x5f: {  	_ =	shalt  }
0x60: {  	_ =	shalt  }
0x61: {  	_ =	shalt  }
0x62: {  	_ =	shalt  }
0x63: {  	_ =	shalt  }
0x64: {  	_ =	shalt  }
0x65: {  	_ =	shalt  }
0x66: {  	_ =	shalt  }
0x67: {  	_ =	shalt  }
0x68: {  	_ =	shalt  }
0x69: {  	_ =	shalt  }
0x6a: {  	_ =	shalt  }
0x6b: {  	_ =	shalt  }
0x6c: {  	_ =	shalt  }
0x6d: {  	_ =	shalt  }
0x6e: {  	_ =	shalt  }
0x6f: {  	_ =	shalt  }
0x70: {  	_ =	shalt  }
0x71: {  	_ =	shalt  }
0x72: {  	_ =	shalt  }
0x73: {  	_ =	shalt  }
0x74: {  	_ =	shalt  }
0x75: {  	_ =	shalt  }
0x76: {  	_ =	shalt  }
0x77: {  	_ =	shalt  }
0x78: {  	_ =	shalt  }
0x79: {  	_ =	shalt  }
0x7a: {  	_ =	shalt  }
0x7b: {  	_ =	shalt  }
0x7c: {  	_ =	shalt  }
0x7d: {  	_ =	shalt  }
0x7e: {  	_ =	shalt  }
0x7f: {  	_ =	shalt  }
0x80: {  	_ =	shalt  }
0x81: {  	_ =	shalt  }
0x82: {  	_ =	shalt  }
0x83: {  	_ =	shalt  }
0x84: {  	_ =	shalt  }
0x85: {  	_ =	shalt  }
0x86: {  	_ =	shalt  }
0x87: {  	_ =	shalt  }
.Lfunc_end0:
.L_simem_size_0:
called_computation_lowered:
.L_overlay_start_0:
0x88: {  	s2 =	sld [smem:$0x3FD9]  }
0x89: {  	s3 =	sld [smem:$0x3FFE];
	_ =	sdelay $0x1  }
0x8a: {  	s1 =	srdreg.scid  }
0x8b: {  	s0 =	sand.u32 $0x1, s1  }
0x8c: {  	s14 =	sshll.u32 s0, $0xA;
	s2 =	sadd.s32 s3, s2  }
0x8d: {  	s2 =	sadd.s32 s2, s14  }
0x8e: {  	[smem:$0x3FC6] =	sst s2  }
0x8f: {  	_ = 	snop  }
0x90: {  	s2 =	sld [smem:$0x3FD0];
	_ =	sdelay $0x2  }
0x91: {  	s15 =	simm.s32 $0xA;
	s4 =	simm.s32 $0x10  }
0x92: {  	[smem:s4], [sflag:s15] =	dma.local [hbm:s2], $0x1  }
0x93: {  	_ =	swait.eq [sflag:s15], $0x1  }
0x94: {  	[sflag:s15] =	ssyncset.done $0x0  }
0x95: {  	[sflag:s15] =	ssyncadd.s32 $0xFFFFFFFF  }
0x96: {  	s16 =	sld [smem:$0x10];
	(tm) =	ssettm $0x1  }
0x97: {  	s17 =	sld [smem:$0x3FFB];
	_ =	sdelay $0x3  }
0x98: {  	_ =	strace s17  }
0x99: {  	s3 =	sld [smem:$0x3FFC];
	_ =	sdelay $0x3  }
0x9a: {  	_ =	strace s3  }
0x9b: {  	s3 =	sld [smem:$0x3FFD];
	_ =	sdelay $0x3  }
0x9c: {  	_ =	strace s3  }
0x9d: {  	_ =	strace $0x8FFFFFFF  }
0x9e: {  	s18 =	sld [smem:$0x3FDB];
	_ =	sdelay $0x1  }
0x9f: {  	s19 =	simm.s32 $_scs_section_size  }
0xa0: {  	s5 =	simm.s32 $_size__tile_overlayer_lowered;
	s6 =	simm.s32 $_tile_overlayer_lowered  }
0xa1: {  	s22 =	simm.s32 $0x1BFF;
	s21 =	sshll.u32 s6, $0x1;
	s3 =	sadd.s32 s19, s18  }
0xa2: {  	s7 =	simm.s32 $0x0;
	s20 =	sshll.u32 s5, $0x1;
	s5 =	sadd.s32 s21, s3  }
0xa3: {  	[timem:s7], [sflag:s22] =	dma.local [hbm:s5], s20  }
0xa4: {  	_ =	swait.ge [sflag:s22], s20  }
0xa5: {  	s4 =	ssub.s32 $0x0, s20;
	[sflag:s22] =	ssyncset.done $0x0  }
0xa6: {  	[sflag:s22] =	ssyncadd.s32 s4;
	_ =	sdelay $0x1  }
0xa7: {  	s23 =	simm.s32 $0x1B8B  }
0xa8: {  	_ =	swait.ge [sflag:s23], $0x1  }
0xa9: {  	[sflag:s23] =	ssyncset.done $0x0  }
0xaa: {  	s25 =	simm.s32 $0x1B8E;
	s24 =	sld [smem:$0x3FFE];
	[sflag:s23] =	ssyncadd.s32 $0xFFFFFFFF  }
0xab: {  	s26 =	simm.s32 $execute0_lowered;
	[smem:$0x3FD2] =	sst s25  }
0xac: {  	s5 =	sshll.u32 s26, $0x1;
	_ =	strace $0x80000046;
	[dreg:$0x1] =	wrdreg $0xFFFFFFFF  }
0xad: {  	s28 =	simm.s32 $_size_execute0_lowered;
	s3 =	sadd.s32 s3, s5;
	[dreg:$0x0] =	wrdreg $0x0  }
0xae: {  	s5 =	sshll.u32 s28, $0x1;
	[dreg:$0x2] =	wrdreg s3  }
0xaf: {  	[dreg:$0x3] =	wrdreg s5  }
0xb0: {  	[dreg:$0x4] =	wrdreg $0xC0  }
0xb1: {  	_ =	task [dreg:s7], $0x5FFFF  }
0xb2: {  	[dreg:$0x1] =	wrdreg $0xFFFFFFFF  }
0xb3: {  	[dreg:$0x0] =	wrdreg $0x60  }
0xb4: {  	[dreg:$0x2] =	wrdreg s24  }
0xb5: {  	[dreg:$0x3] =	wrdreg s16  }
0xb6: {  	[dreg:$0x4] =	wrdreg $0x9  }
0xb7: {  	_ =	task.clear_ibuf [dreg:s7], $0x5FFFF;
	_ =	strace $0x90000046  }
0xb8: {  	s29 =	simm.s32 $0x9;
	_ =	strace $0x80000048  }
0xb9: {  	_ =	swait.ge [sflag:s29], $0x1  }
0xba: {  	[sflag:s29] =	ssyncadd.s32 $0xFFFFFFFF  }
0xbb: {  	_ =	strace $0x90000048  }
0xbc: {  	_ =	sfence  }
0xbd: {  	s30 =	sld [smem:$0x0];
	_ =	sdelay $0x2  }
0xbe: {  	s31 =	sshll.u32 s1, $0xD;
	s1 =	sshrl.u32 s1, $0x2  }
0xbf: {  	s3 =	sand.u32 $0x4000, s31;
	s1 =	sadd.s32 s1, s30  }
0xc0: {  	s0 =	sor.u32 s3, s0;
	s1 =	sshll.u32 s1, $0x11  }
0xc1: {  	s0 =	sor.u32 s1, s0  }
0xc2: {  	s0 =	sadd.s32 $0x8F2B, s0  }
0xc3: {  	[sflag:s0] =	ssyncadd.remote.s32 $0x1  }
0xc4: {  	_ =	sfence.sel $0xFFFF  }
0xc5: {  	[dreg:$0x0] =	wrdreg $0xFFFFFFFF;
	(pc) =	sbr.abs _section_cstart, $3  }
0xc6: {  	[dreg:$0x1] =	wrdreg $0xFFFFFFFF  }
0xc7: {  	_ =	task.clear_ibuf [dreg:s7], $0x2FFFF;
	_ =	strace $0x9FFFFFFF  }
0xc8: {  	(tm) =	ssettm $0x7FFFFFFF  }
0xc9: {  	_ =	shalt  }
tec
execute0_lowered:
.L_overlay_start_1:
0x0: {  	(tag) =	ssettag $0x1  }
0x1: {  	s0 =	srdreg.scid  }
0x2: {  	s4 =	sand.u32 $0x1, s0;
	s0 =	stileid.u32  }
0x3: {  	s5 =	sor.u32 s0, s4  }
0x4: {  	p0 =	sne.s32 s5, $0x0  }
.Ltmp0:
0x5: {  	_ = 	snop;
	(pc) =	sbr.rel @p0 .LBB2_3-.Ltmp0, $4  }
0x6: {  	_ = 	snop  }
0x7: {  	s3 =	rddreg [dreg:$0x0]  }
0x8: {  	s2 =	rddreg [dreg:$0x1]  }
0x9: {  	s1 =	rddreg [dreg:$0x2];
	_ =	strace $0x80000047  }
0xa: {  	v0 =	vlaneseq.u32  }
0xb: {  	v1 =	vor.u32 $0x10, v0;
	v2 =	vor.u32 $0x20, v0;
	v3 =	vor.u32 $0x30, v0  }
0xc: {  	v4 =	vor.u32 $0x40, v0;
	v5 =	vor.u32 $0x50, v0;
	v6 =	vor.u32 $0x60, v0  }
0xd: {  	v7 =	vor.u32 $0x70, v0;
	v8 =	vor.u32 $0x80, v0;
	v9 =	vor.u32 $0x90, v0  }
0xe: {  	v10 =	vor.u32 $0xA0, v0;
	v11 =	vor.u32 $0xB0, v0;
	v12 =	vor.u32 $0xC0, v0  }
0xf: {  	v13 =	vor.u32 $0xD0, v0;
	v14 =	vor.u32 $0xE0, v0;
	v15 =	vor.u32 $0xF0, v0  }
0x10: {  	v16 =	vor.u32 $0x100, v0;
	v17 =	vor.u32 $0x110, v0;
	v18 =	vor.u32 $0x120, v0  }
0x11: {  	v19 =	vor.u32 $0x130, v0;
	v20 =	vor.u32 $0x140, v0;
	v21 =	vor.u32 $0x150, v0  }
0x12: {  	v22 =	vor.u32 $0x160, v0;
	v23 =	vor.u32 $0x170, v0;
	v24 =	vor.u32 $0x180, v0  }
0x13: {  	v25 =	vor.u32 $0x190, v0;
	v26 =	vor.u32 $0x1A0, v0;
	v27 =	vor.u32 $0x1B0, v0  }
0x14: {  	v28 =	vor.u32 $0x1C0, v0;
	v29 =	vor.u32 $0x1D0, v0;
	v30 =	vor.u32 $0x1E0, v0  }
0x15: {  	v31 =	vor.u32 $0x1F0, v0;
	v32 =	vor.u32 $0x200, v0;
	v33 =	vor.u32 $0x210, v0  }
0x16: {  	v34 =	vor.u32 $0x220, v0;
	v35 =	vor.u32 $0x230, v0;
	v36 =	vor.u32 $0x240, v0  }
0x17: {  	v37 =	vor.u32 $0x250, v0;
	v38 =	vor.u32 $0x260, v0;
	v39 =	vor.u32 $0x270, v0  }
0x18: {  	v40 =	vor.u32 $0x280, v0;
	v41 =	vor.u32 $0x290, v0;
	v42 =	vor.u32 $0x2A0, v0  }
0x19: {  	v43 =	vor.u32 $0x2B0, v0;
	v44 =	vor.u32 $0x2C0, v0;
	v45 =	vor.u32 $0x2D0, v0  }
0x1a: {  	v46 =	vor.u32 $0x2E0, v0;
	v47 =	vor.u32 $0x2F0, v0;
	v48 =	vor.u32 $0x300, v0  }
0x1b: {  	v49 =	vor.u32 $0x310, v0;
	v50 =	vor.u32 $0x320, v0;
	v51 =	vor.u32 $0x330, v0  }
0x1c: {  	v52 =	vor.u32 $0x340, v0;
	v53 =	vor.u32 $0x350, v0;
	v54 =	vor.u32 $0x360, v0  }
0x1d: {  	s4 =	ssub.s32 $0x2, s4;
	s3 =	sadd.s32 $0xC00, s3;
	v55 =	vor.u32 $0x370, v0;
	v56 =	vor.u32 $0x380, v0;
	v57 =	vor.u32 $0x390, v0  }
0x1e: {  	s6 =	simm.s32 $0x2;
	s7 =	simm.s32 $0x800;
	s5 =	sshrl.u32 s4, $0x1;
	v58 =	vor.u32 $0x3A0, v0;
	v59 =	vor.u32 $0x3B0, v0;
	v60 =	vor.u32 $0x3C0, v0  }
0x1f: {  	s8 =	simm.s32 $0x1;
	v61 =	vor.u32 $0x3D0, v0;
	v62 =	vor.u32 $0x3E0, v0;
	v63 =	vor.u32 $0x3F0, v0;
	[tilespmem:$0x1FFF0] =	vst v1;
	s4 =	ssub.s32 s4, s5;
	s5 =	simm.s32 $0x0  }
.LBB2_2:
0x20: {  	[tilespmem:s5], [sflag:$0x2] =	stream.linear.gather [hbm4b:s3+s5], $0x800, $0x38;
	[tilespmem:$0x1000] =	vst v63  }
0x21: {  	_ =	swait.ge [sflag:s6], $0x800  }
0x22: {  	[sflag:s6] =	ssyncset.done $0x0  }
0x23: {  	v1 =	vor.u32 $0x400, v0;
	[sflag:s6] =	ssyncadd.s32 $0xFFFFF800  }
0x24: {  	[tilespmem:$0xC00] =	vst v1  }
0x25: {  	[tilespmem:$0x800] =	vst v0  }
0x26: {  	[tilespmem:$0x820] =	vst v2  }
0x27: {  	[tilespmem:$0x830] =	vst v3  }
0x28: {  	[tilespmem:$0x840] =	vst v4  }
0x29: {  	[tilespmem:$0x850] =	vst v5  }
0x2a: {  	[tilespmem:$0x860] =	vst v6  }
0x2b: {  	[tilespmem:$0x870] =	vst v7  }
0x2c: {  	[tilespmem:$0x880] =	vst v8  }
0x2d: {  	[tilespmem:$0x890] =	vst v9  }
0x2e: {  	[tilespmem:$0x8A0] =	vst v10  }
0x2f: {  	[tilespmem:$0x8B0] =	vst v11  }
0x30: {  	[tilespmem:$0x8C0] =	vst v12  }
0x31: {  	[tilespmem:$0x8D0] =	vst v13  }
0x32: {  	[tilespmem:$0x8E0] =	vst v14  }
0x33: {  	[tilespmem:$0x8F0] =	vst v15  }
0x34: {  	[tilespmem:$0x900] =	vst v16  }
0x35: {  	[tilespmem:$0x910] =	vst v17  }
0x36: {  	[tilespmem:$0x920] =	vst v18  }
0x37: {  	[tilespmem:$0x930] =	vst v19  }
0x38: {  	[tilespmem:$0x940] =	vst v20  }
0x39: {  	[tilespmem:$0x950] =	vst v21  }
0x3a: {  	[tilespmem:$0x960] =	vst v22  }
0x3b: {  	[tilespmem:$0x970] =	vst v23  }
0x3c: {  	[tilespmem:$0x980] =	vst v24  }
0x3d: {  	[tilespmem:$0x990] =	vst v25  }
0x3e: {  	[tilespmem:$0x9A0] =	vst v26  }
0x3f: {  	[tilespmem:$0x9B0] =	vst v27  }
0x40: {  	[tilespmem:$0x9C0] =	vst v28  }
0x41: {  	[tilespmem:$0x9D0] =	vst v29  }
0x42: {  	[tilespmem:$0x9E0] =	vst v30  }
0x43: {  	[tilespmem:$0x9F0] =	vst v31  }
0x44: {  	[tilespmem:$0xA00] =	vst v32  }
0x45: {  	[tilespmem:$0xA10] =	vst v33  }
0x46: {  	[tilespmem:$0xA20] =	vst v34  }
0x47: {  	[tilespmem:$0xA30] =	vst v35  }
0x48: {  	[tilespmem:$0xA40] =	vst v36  }
0x49: {  	[tilespmem:$0xA50] =	vst v37  }
0x4a: {  	[tilespmem:$0xA60] =	vst v38  }
0x4b: {  	[tilespmem:$0xA70] =	vst v39  }
0x4c: {  	[tilespmem:$0xA80] =	vst v40  }
0x4d: {  	[tilespmem:$0xA90] =	vst v41  }
0x4e: {  	[tilespmem:$0xAA0] =	vst v42  }
0x4f: {  	[tilespmem:$0xAB0] =	vst v43  }
0x50: {  	[tilespmem:$0xAC0] =	vst v44  }
0x51: {  	[tilespmem:$0xAD0] =	vst v45  }
0x52: {  	[tilespmem:$0xAE0] =	vst v46  }
0x53: {  	[tilespmem:$0xAF0] =	vst v47  }
0x54: {  	[tilespmem:$0xB00] =	vst v48  }
0x55: {  	[tilespmem:$0xB10] =	vst v49  }
0x56: {  	[tilespmem:$0xB20] =	vst v50  }
0x57: {  	[tilespmem:$0xB30] =	vst v51  }
0x58: {  	[tilespmem:$0xB40] =	vst v52  }
0x59: {  	[tilespmem:$0xB50] =	vst v53  }
0x5a: {  	[tilespmem:$0xB60] =	vst v54  }
0x5b: {  	[tilespmem:$0xB70] =	vst v55  }
0x5c: {  	[tilespmem:$0xB80] =	vst v56  }
0x5d: {  	[tilespmem:$0xB90] =	vst v57  }
0x5e: {  	[tilespmem:$0xBA0] =	vst v58  }
0x5f: {  	v1 =	vor.u32 $0x410, v0;
	[tilespmem:$0xBB0] =	vst v59  }
0x60: {  	[tilespmem:$0xC10] =	vst v1;
	v1 =	vor.u32 $0x420, v0  }
0x61: {  	[tilespmem:$0xC20] =	vst v1;
	v1 =	vor.u32 $0x430, v0  }
0x62: {  	[tilespmem:$0xC30] =	vst v1;
	v1 =	vor.u32 $0x440, v0  }
0x63: {  	[tilespmem:$0xC40] =	vst v1;
	v1 =	vor.u32 $0x450, v0  }
0x64: {  	[tilespmem:$0xC50] =	vst v1;
	v1 =	vor.u32 $0x460, v0  }
0x65: {  	[tilespmem:$0xC60] =	vst v1;
	v1 =	vor.u32 $0x470, v0  }
0x66: {  	[tilespmem:$0xC70] =	vst v1;
	v1 =	vor.u32 $0x480, v0  }
0x67: {  	[tilespmem:$0xC80] =	vst v1;
	v1 =	vor.u32 $0x490, v0  }
0x68: {  	[tilespmem:$0xC90] =	vst v1;
	v1 =	vor.u32 $0x4A0, v0  }
0x69: {  	[tilespmem:$0xCA0] =	vst v1;
	v1 =	vor.u32 $0x4B0, v0  }
0x6a: {  	[tilespmem:$0xCB0] =	vst v1;
	v1 =	vor.u32 $0x4C0, v0  }
0x6b: {  	[tilespmem:$0xCC0] =	vst v1;
	v1 =	vor.u32 $0x4D0, v0  }
0x6c: {  	[tilespmem:$0xCD0] =	vst v1;
	v1 =	vor.u32 $0x4E0, v0  }
0x6d: {  	[tilespmem:$0xCE0] =	vst v1;
	v1 =	vor.u32 $0x4F0, v0  }
0x6e: {  	[tilespmem:$0xCF0] =	vst v1;
	v1 =	vor.u32 $0x500, v0  }
0x6f: {  	[tilespmem:$0xD00] =	vst v1;
	v1 =	vor.u32 $0x510, v0  }
0x70: {  	[tilespmem:$0xD10] =	vst v1;
	v1 =	vor.u32 $0x520, v0  }
0x71: {  	[tilespmem:$0xD20] =	vst v1;
	v1 =	vor.u32 $0x530, v0  }
0x72: {  	[tilespmem:$0xD30] =	vst v1;
	v1 =	vor.u32 $0x540, v0  }
0x73: {  	[tilespmem:$0xD40] =	vst v1;
	v1 =	vor.u32 $0x550, v0  }
0x74: {  	[tilespmem:$0xD50] =	vst v1;
	v1 =	vor.u32 $0x560, v0  }
0x75: {  	[tilespmem:$0xD60] =	vst v1;
	v1 =	vor.u32 $0x570, v0  }
0x76: {  	[tilespmem:$0xD70] =	vst v1;
	v1 =	vor.u32 $0x580, v0  }
0x77: {  	[tilespmem:$0xD80] =	vst v1;
	v1 =	vor.u32 $0x590, v0  }
0x78: {  	[tilespmem:$0xD90] =	vst v1;
	v1 =	vor.u32 $0x5A0, v0  }
0x79: {  	[tilespmem:$0xDA0] =	vst v1;
	v1 =	vor.u32 $0x5B0, v0  }
0x7a: {  	[tilespmem:$0xDB0] =	vst v1;
	v1 =	vor.u32 $0x5C0, v0  }
0x7b: {  	[tilespmem:$0xDC0] =	vst v1;
	v1 =	vor.u32 $0x5D0, v0  }
0x7c: {  	[tilespmem:$0xDD0] =	vst v1;
	v1 =	vor.u32 $0x5E0, v0  }
0x7d: {  	[tilespmem:$0xDE0] =	vst v1;
	v1 =	vor.u32 $0x5F0, v0  }
0x7e: {  	[tilespmem:$0xDF0] =	vst v1;
	v1 =	vor.u32 $0x600, v0  }
0x7f: {  	[tilespmem:$0xE00] =	vst v1;
	v1 =	vor.u32 $0x610, v0  }
0x80: {  	[tilespmem:$0xE10] =	vst v1;
	v1 =	vor.u32 $0x620, v0  }
0x81: {  	[tilespmem:$0xE20] =	vst v1;
	v1 =	vor.u32 $0x630, v0  }
0x82: {  	[tilespmem:$0xE30] =	vst v1;
	v1 =	vor.u32 $0x640, v0  }
0x83: {  	[tilespmem:$0xE40] =	vst v1;
	v1 =	vor.u32 $0x650, v0  }
0x84: {  	[tilespmem:$0xE50] =	vst v1;
	v1 =	vor.u32 $0x660, v0  }
0x85: {  	[tilespmem:$0xE60] =	vst v1;
	v1 =	vor.u32 $0x670, v0  }
0x86: {  	[tilespmem:$0xE70] =	vst v1;
	v1 =	vor.u32 $0x680, v0  }
0x87: {  	[tilespmem:$0xE80] =	vst v1;
	v1 =	vor.u32 $0x690, v0  }
0x88: {  	[tilespmem:$0xE90] =	vst v1;
	v1 =	vor.u32 $0x6A0, v0  }
0x89: {  	[tilespmem:$0xEA0] =	vst v1;
	v1 =	vor.u32 $0x6B0, v0  }
0x8a: {  	[tilespmem:$0xEB0] =	vst v1;
	v1 =	vor.u32 $0x6C0, v0  }
0x8b: {  	[tilespmem:$0xEC0] =	vst v1;
	v1 =	vor.u32 $0x6D0, v0  }
0x8c: {  	[tilespmem:$0xED0] =	vst v1;
	v1 =	vor.u32 $0x6E0, v0  }
0x8d: {  	[tilespmem:$0xEE0] =	vst v1;
	v1 =	vor.u32 $0x6F0, v0  }
0x8e: {  	[tilespmem:$0xEF0] =	vst v1;
	v1 =	vor.u32 $0x700, v0  }
0x8f: {  	[tilespmem:$0xF00] =	vst v1;
	v1 =	vor.u32 $0x710, v0  }
0x90: {  	[tilespmem:$0xF10] =	vst v1;
	v1 =	vor.u32 $0x720, v0  }
0x91: {  	[tilespmem:$0xF20] =	vst v1;
	v1 =	vor.u32 $0x730, v0  }
0x92: {  	[tilespmem:$0xF30] =	vst v1;
	v1 =	vor.u32 $0x740, v0  }
0x93: {  	[tilespmem:$0xF40] =	vst v1;
	v1 =	vor.u32 $0x750, v0  }
0x94: {  	[tilespmem:$0xF50] =	vst v1;
	v1 =	vor.u32 $0x760, v0  }
0x95: {  	[tilespmem:$0xF60] =	vst v1;
	v1 =	vor.u32 $0x770, v0  }
0x96: {  	[tilespmem:$0xF70] =	vst v1;
	v1 =	vor.u32 $0x780, v0  }
0x97: {  	[tilespmem:$0xF80] =	vst v1;
	v1 =	vor.u32 $0x790, v0  }
0x98: {  	[tilespmem:$0xF90] =	vst v1;
	v1 =	vor.u32 $0x7A0, v0  }
0x99: {  	[tilespmem:$0xFA0] =	vst v1;
	v1 =	vor.u32 $0x7B0, v0  }
0x9a: {  	[tilespmem:$0xFB0] =	vst v1;
	v1 =	vor.u32 $0x7C0, v0  }
0x9b: {  	[tilespmem:$0xFC0] =	vst v1;
	v1 =	vor.u32 $0x7D0, v0  }
0x9c: {  	[tilespmem:$0xFD0] =	vst v1;
	v1 =	vor.u32 $0x7E0, v0  }
0x9d: {  	[tilespmem:$0xFE0] =	vst v1;
	v1 =	vor.u32 $0x7F0, v0  }
0x9e: {  	[tilespmem:$0xFF0] =	vst v1;
	v1 =	vld [tilespmem:$0x1FFF0]  }
0x9f: {  	[tilespmem:$0xBC0] =	vst v60  }
0xa0: {  	[tilespmem:$0xBD0] =	vst v61  }
0xa1: {  	[tilespmem:$0xBE0] =	vst v62  }
0xa2: {  	p0 =	sne.s32 s4, $0x1;
	[tilespmem:$0xBF0] =	vst v63  }
.Ltmp1:
0xa3: {  	[tilespmem:$0x810] =	vst v1;
	(pc) =	sbr.rel @p0 .LBB2_2-.Ltmp1, $4  }
0xa4: {  	[hbm4b:s2+s7] =	stream.indirect.scatter [tilespmem:s7], [sflag:$0x1], $0x1, s5, s7, $0xb8;
	[tilespmem:$0x1000] =	vst v63  }
0xa5: {  	_ =	swait.ge [sflag:s8], $0x800  }
0xa6: {  	[sflag:s8] =	ssyncset.done $0x0  }
0xa7: {  	s4 =	sadd.s32 $0xFFFFFFFF, s4;
	[sflag:s8] =	ssyncadd.s32 $0xFFFFF800  }
.LBB2_3:
0xa8: {  	_ =	sfence.sel $0x180000  }
0xa9: {  	[bflag:$0x0] =	sbarrier.arrive $0xFFFF  }
0xaa: {  	p0 =	sne.s32 s0, $0x0;
	_ =	strace $0x90000047  }
0xab: {  	s0 =	sadd.s32 @!p0 $0x100000, s1;
	[bflag:$0x2] =	sbarrier.arrive $0xFFFF  }
0xac: {  	[sflag:s0] =	ssyncadd.tile.s32 @!p0 $0x1;
	_ =	shalt  }
.Lfunc_end2:
_tile_overlayer_lowered:
.L_overlay_start_2:
0xad: {  	(tag) =	ssettag $0x2  }
0xae: {  	s0 =	rddreg [dreg:$0x0];
	s2 =	stileid.u32  }
0xaf: {  	s1 =	rddreg [dreg:$0x1];
	p0 =	sne.s32 s2, $0x0  }
0xb0: {  	s3 =	rddreg [dreg:$0x2];
	[bflag:$0x3] =	sbarrier.arrive $0xFFFF;
	s2 =	simm.s32 @!p0 $0x1C02  }
0xb1: {  	[timem:s3], [sflag:s2] =	dma.local @!p0 [hbm:s0], s1  }
0xb2: {  	s0 =	simm.s32 @!p0 $0x2  }
0xb3: {  	_ =	swait.ge @!p0 [sflag:s0], s1  }
0xb4: {  	s1 =	ssub.s32 @!p0 $0x0, s1;
	[sflag:s0] =	ssyncset.done @!p0 $0x0  }
0xb5: {  	[sflag:s0] =	ssyncadd.s32 @!p0 s1  }
0xb6: {  	[bflag:$0x3] =	sbarrier.arrive $0xFFFF  }
0xb7: {  	_ =	shalt  }

</sc_bundles>
